<compile_context>
chip_gen: v7x
topology: tpu7x:2x2x1
jax: 0.10.2.dev20260603
libtpu: 0.0.44.dev20260713+nightly
codegen_flags: <defaults>
</compile_context>

<pallas_src>
import functools

import jax
import jax.numpy as jnp
from jax import lax
from jax.experimental import pallas as pl
from jax.experimental.pallas import tpu as pltpu
from jax.experimental.pallas import tpu_sc as plsc

N = 320000
S = 512
F = 128
NC = 2
NS = 16
L = 16
NCNT = N // NS
NOUT = N // (NC * NS)
SB = S + L


@functools.cache
def _make_sc_counts():
  mesh = plsc.VectorSubcoreMesh(
      core_axis_name="c", subcore_axis_name="s", num_cores=NC, num_subcores=NS
  )

  @functools.partial(
      pl.kernel,
      out_type=jax.ShapeDtypeStruct((N,), jnp.float32),
      mesh=mesh,
      compiler_params=pltpu.CompilerParams(needs_layout_passes=False),
      scratch_types=[
          pltpu.VMEM((NCNT + L,), jnp.int32),
          pltpu.VMEM((SB + L,), jnp.int32),
          pltpu.VMEM((S,), jnp.int32),
          pltpu.VMEM((NS, S), jnp.int32),
          pltpu.VMEM_SHARED((NS, S), jnp.int32),
          pltpu.VMEM((S,), jnp.float32),
          pltpu.VMEM((NOUT,), jnp.float32),
          pltpu.SemaphoreType.DMA,
      ],
  )
  def sc_counts(batch_hbm, cnt_hbm, slice_v, lb_v, cnts_v, all_v, shared_v,
                scale_v, out_v, sem):
    cid = lax.axis_index("c")
    sid = lax.axis_index("s")
    wid = sid * NC + cid

    cp = pltpu.async_copy(batch_hbm.at[pl.ds(sid * NCNT, NCNT)],
                          slice_v.at[pl.ds(0, NCNT)], sem)
    slice_v[pl.ds(NCNT, L)] = jnp.full((L,), jnp.int32(2**31 - 1))

    lane = lax.iota(jnp.int32, L)

    zero = jnp.zeros((L,), jnp.int32)

    def zero_j(j, _):
      cnts_v[pl.ds(j * L, L)] = zero
      return 0

    lax.fori_loop(0, S // L, zero_j, 0)
    cp.wait()

    first = jnp.min(slice_v[pl.ds(0, L)])
    last = jnp.max(slice_v[pl.ds(NCNT - L, L)])
    jstart = first >> 4
    jend = last >> 4

    def search_j(j, _):
      s_vec = j * L + lane
      lo = jnp.zeros((L,), jnp.int32)
      hi = jnp.full((L,), NCNT, jnp.int32)
      for _t in range(15):
        mid = (lo + hi) >> 1
        vals = plsc.load_gather(slice_v, [mid])
        go_right = vals < s_vec
        lo = jnp.where(go_right, mid + 1, lo)
        hi = jnp.where(go_right, hi, mid)
      lb_v[pl.ds(j * L, L)] = lo
      return 0

    lax.fori_loop(jstart, jend + 2, search_j, 0)

    def cnt_j(j, _):
      base = j * L
      lb_lo = lb_v[pl.ds(base, L)]
      lb_hi = plsc.load_gather(lb_v, [base + 1 + lane])
      cnts_v[pl.ds(base, L)] = lb_hi - lb_lo
      return 0

    lax.fori_loop(jstart, jend + 1, cnt_j, 0)

    pltpu.sync_copy(cnts_v, shared_v.at[sid])
    plsc.subcore_barrier()
    pltpu.sync_copy(shared_v, all_v)

    def red_j(j, _):
      base = j * L
      acc = all_v[0, pl.ds(base, L)]
      for r in range(1, NS):
        acc = acc + all_v[r, pl.ds(base, L)]
      scale_v[pl.ds(base, L)] = acc.astype(jnp.float32)
      return 0

    lax.fori_loop(jstart, jend + 1, red_j, 0)

    goff = cid * NOUT

    def gat_i(i, _):
      for u in range(5):
        off = (5 * i + u) * L
        idx = slice_v[pl.ds(goff + off, L)]
        out_v[pl.ds(off, L)] = plsc.load_gather(scale_v, [idx])
      return 0

    lax.fori_loop(0, NOUT // L // 5, gat_i, 0)
    pltpu.sync_copy(out_v, cnt_hbm.at[pl.ds(wid * NOUT, NOUT)])

  return sc_counts


ROWS_PER_BLOCK = 16000


def _tc_body(f_ref, c_ref, o_ref):
  i = pl.program_id(0)
  c = c_ref[pl.ds(i * ROWS_PER_BLOCK, ROWS_PER_BLOCK)]
  s = lax.rsqrt(c)
  o_ref[...] = f_ref[...] * s.reshape(ROWS_PER_BLOCK, 1)


_tc_scale = pl.pallas_call(
    _tc_body,
    grid=(N // ROWS_PER_BLOCK,),
    in_specs=[
        pl.BlockSpec((ROWS_PER_BLOCK, F), lambda i: (i, 0)),
        pl.BlockSpec((N,), lambda i: (0,)),
    ],
    out_specs=pl.BlockSpec((ROWS_PER_BLOCK, F), lambda i: (i, 0)),
    out_shape=jax.ShapeDtypeStruct((N, F), jnp.float32),
)


def kernel(feature, batch):
  cnt = _make_sc_counts()(batch.astype(jnp.int32))
  return _tc_scale(feature, cnt)

# --- scband reference (transcript-rebuilt; emitter-appended) ---
"""Pipeline reference for scband-graph-norm-14860586844303 (READ-ONLY COPY).

The authoritative reference and input builder live on the scoring server;
editing this copy changes nothing except your own understanding.
"""

import jax, jax.numpy as jnp
import numpy as np

NUM_SEGMENTS = 512

def setup_inputs(seed: int = 0) -> dict:
    key = jax.random.key(seed)
    k1, k2 = jax.random.split(key)
    feature = jax.random.normal(k1, (320000, 128), dtype=jnp.float32)
    batch = jnp.sort(jax.random.randint(k2, (320000,), 0, NUM_SEGMENTS, dtype=jnp.int64) if jax.config.jax_enable_x64 else jax.random.randint(k2, (320000,), 0, NUM_SEGMENTS, dtype=jnp.int32))
    return {"feature": feature, "batch": batch}

def reference(feature, batch):
    # nodes = ones_like(batch); norm = scatter_sum(nodes, batch)
    nodes = jnp.ones_like(batch)
    norm = jax.ops.segment_sum(nodes, batch, num_segments=NUM_SEGMENTS)
    norm = jnp.sqrt(norm.astype(feature.dtype))
    norm = norm[batch].reshape(-1, 1)
    return feature / norm

if __name__ == "__main__":
    import jax
    _d = setup_inputs()
    print(jax.jit(kernel)(*tuple(_d.values())))

</pallas_src>

<mosaic_0001>
#map = affine_map<(d0, d1) -> (0)>
module attributes {stable_mosaic.version = 14 : i64} {
  func.func @sc_counts(%arg0: i32, %arg1: i32, %arg2: memref<320000xi32, #tpu.memory_space<hbm>>, %arg3: memref<320000xf32, #tpu.memory_space<hbm>>, %arg4: memref<20016xi32, #tpu.memory_space<vmem>>, %arg5: memref<544xi32, #tpu.memory_space<vmem>>, %arg6: memref<512xi32, #tpu.memory_space<vmem>>, %arg7: memref<16x512xi32, #tpu.memory_space<vmem>>, %arg8: memref<16x512xi32, #tpu.memory_space<vmem_shared>>, %arg9: memref<512xf32, #tpu.memory_space<vmem>>, %arg10: memref<10000xf32, #tpu.memory_space<vmem>>, %arg11: memref<!tpu.dma_semaphore, #tpu.memory_space<semaphore_mem>>) attributes {dimension_semantics = [#tpu.dimension_semantics<core_parallel>, #tpu.dimension_semantics<subcore_parallel>], iteration_bounds = array<i64: 2, 16>, scalar_prefetch = 0 : i64, scratch_operands = 8 : i64, tpu.core_type = #tpu.core_type<sc_vector_subcore>, window_params = [{transform_indices = #map}, {transform_indices = #map}]} {
    %mul3A = arith.constant 2 : i32
    %mul3A_0 = arith.muli %arg1, %mul3A : i32
    %add3A = arith.addi %mul3A_0, %arg0 : i32
    %mul3A_1 = arith.constant 20000 : i32
    %mul3A_2 = arith.muli %arg1, %mul3A_1 : i32
    %dma_start3A = arith.constant 0 : i32
    %dma_start3A_3 = tpu.memref_slice %arg4[%dma_start3A] : memref<20016xi32, #tpu.memory_space<vmem>> -> memref<20000xi32, #tpu.memory_space<vmem>>
    %dma_start3A_4 = tpu.memref_slice %arg2[%mul3A_2] : memref<320000xi32, #tpu.memory_space<hbm>> -> memref<20000xi32, #tpu.memory_space<hbm>>
    %dma_start3A_5 = arith.constant 0 : i32
    %dma_start3A_6 = tpu.memref_slice %arg4[%dma_start3A_5] : memref<20016xi32, #tpu.memory_space<vmem>> -> memref<20000xi32, #tpu.memory_space<vmem>>
    %dma_start3A_7 = tpu.memref_slice %arg2[%mul3A_2] : memref<320000xi32, #tpu.memory_space<hbm>> -> memref<20000xi32, #tpu.memory_space<hbm>>
    tpu.enqueue_dma source(%dma_start3A_7 : memref<20000xi32, #tpu.memory_space<hbm>>) target(%dma_start3A_6 : memref<20000xi32, #tpu.memory_space<vmem>>) target_semaphore(%arg11 : memref<!tpu.dma_semaphore, #tpu.memory_space<semaphore_mem>>)
    %broadcast_in_dim3A = arith.constant 2147483647 : i32
    %broadcast_in_dim3A_8 = vector.broadcast %broadcast_in_dim3A : i32 to vector<16xi32>
    %swap3A = arith.constant 20000 : index
    %swap3A_9 = tpu.vector_load %arg4[%swap3A] {strides = array<i32>} : memref<20016xi32, #tpu.memory_space<vmem>>, vector<16xi32>,
    tpu.vector_store %arg4[%swap3A], %broadcast_in_dim3A_8 {strides = array<i32>} : memref<20016xi32, #tpu.memory_space<vmem>>, vector<16xi32>,
    %iota3A = tpu.iota {dimensions = array<i32: 0>} : vector<16xi32>
    %broadcast_in_dim3A_10 = arith.constant 0 : i32
    %broadcast_in_dim3A_11 = vector.broadcast %broadcast_in_dim3A_10 : i32 to vector<16xi32>
    %scan3A = arith.constant 0 : i32
    %scan3A_12 = arith.constant 0 : i32
    %scan3A_13 = arith.constant 32 : i32
    %scan3A_14 = arith.addi %scan3A_12, %scan3A_13 : i32
    %scan3A_15 = arith.constant 1 : i32
    %scan3A_16 = scf.for %scan3A_92 = %scan3A_12 to %scan3A_14 step %scan3A_15 iter_args(%scan3A_93 = %scan3A) -> (i32)  : i32 {
      %mul3A_94 = arith.constant 16 : i32
      %mul3A_95 = arith.muli %scan3A_92, %mul3A_94 : i32
      %swap3A_96 = arith.index_cast %mul3A_95 : i32 to index
      %swap3A_97 = tpu.vector_load %arg6[%swap3A_96] {strides = array<i32>} : memref<512xi32, #tpu.memory_space<vmem>>, vector<16xi32>,
      tpu.vector_store %arg6[%swap3A_96], %broadcast_in_dim3A_11 {strides = array<i32>} : memref<512xi32, #tpu.memory_space<vmem>>, vector<16xi32>,
      %scan3A_98 = arith.constant 0 : i32
      scf.yield %scan3A_98 : i32
    }
    %scan3A_17 = arith.constant 32 : i32
    %dma_wait3A = arith.constant 0 : i32
    %dma_wait3A_18 = tpu.memref_slice %arg4[%dma_wait3A] : memref<20016xi32, #tpu.memory_space<vmem>> -> memref<20000xi32, #tpu.memory_space<vmem>>
    %dma_wait3A_19 = tpu.memref_slice %arg2[%mul3A_2] : memref<320000xi32, #tpu.memory_space<hbm>> -> memref<20000xi32, #tpu.memory_space<hbm>>
    %dma_wait3A_20 = arith.constant 0 : i32
    %dma_wait3A_21 = tpu.memref_slice %arg4[%dma_wait3A_20] : memref<20016xi32, #tpu.memory_space<vmem>> -> memref<20000xi32, #tpu.memory_space<vmem>>
    %dma_wait3A_22 = tpu.memref_slice %arg2[%mul3A_2] : memref<320000xi32, #tpu.memory_space<hbm>> -> memref<20000xi32, #tpu.memory_space<hbm>>
    tpu.wait_dma2 semaphore(%arg11 : memref<!tpu.dma_semaphore, #tpu.memory_space<semaphore_mem>>) src(%dma_wait3A_22 : memref<20000xi32, #tpu.memory_space<hbm>>) dst(%dma_wait3A_21 : memref<20000xi32, #tpu.memory_space<vmem>>)
    %get3A = arith.constant 0 : index
    %get3A_23 = tpu.vector_load %arg4[%get3A] {strides = array<i32>} : memref<20016xi32, #tpu.memory_space<vmem>>, vector<16xi32>,
    %reduce_min3A = arith.constant true
    %reduce_min3A_24 = vector.broadcast %reduce_min3A : i1 to vector<16xi1>
    %reduce_min3A_25 = arith.constant -2147483648 : i32
    %reduce_min3A_26 = vector.broadcast %reduce_min3A_25 : i32 to vector<16xi32>
    %reduce_min3A_27 = arith.xori %get3A_23, %reduce_min3A_26 : vector<16xi32>
    %reduce_min3A_28 = tpu.scan <min>, %reduce_min3A_27 masked %reduce_min3A_24 : vector<16xi32>, vector<16xi1> -> vector<16xi32>
    %reduce_min3A_29 = arith.xori %reduce_min3A_28, %reduce_min3A_26 : vector<16xi32>
    %reduce_min3A_30 = vector.extract %reduce_min3A_29[15] : i32 from vector<16xi32>
    %get3A_31 = arith.constant 19984 : index
    %get3A_32 = tpu.vector_load %arg4[%get3A_31] {strides = array<i32>} : memref<20016xi32, #tpu.memory_space<vmem>>, vector<16xi32>,
    %reduce_max3A = arith.constant true
    %reduce_max3A_33 = vector.broadcast %reduce_max3A : i1 to vector<16xi1>
    %reduce_max3A_34 = arith.constant -2147483648 : i32
    %reduce_max3A_35 = vector.broadcast %reduce_max3A_34 : i32 to vector<16xi32>
    %reduce_max3A_36 = arith.xori %get3A_32, %reduce_max3A_35 : vector<16xi32>
    %reduce_max3A_37 = tpu.scan <max>, %reduce_max3A_36 masked %reduce_max3A_33 : vector<16xi32>, vector<16xi1> -> vector<16xi32>
    %reduce_max3A_38 = arith.xori %reduce_max3A_37, %reduce_max3A_35 : vector<16xi32>
    %reduce_max3A_39 = vector.extract %reduce_max3A_38[15] : i32 from vector<16xi32>
    %shift_right_arithmetic3A = arith.constant 4 : i32
    %shift_right_arithmetic3A_40 = arith.shrsi %reduce_min3A_30, %shift_right_arithmetic3A : i32
    %shift_right_arithmetic3A_41 = arith.constant 4 : i32
    %shift_right_arithmetic3A_42 = arith.shrsi %reduce_max3A_39, %shift_right_arithmetic3A_41 : i32
    %add3A_43 = arith.constant 2 : i32
    %add3A_44 = arith.addi %shift_right_arithmetic3A_42, %add3A_43 : i32
    %while3A = arith.constant 0 : i32
    %while3A_45 = arith.subi %add3A_44, %shift_right_arithmetic3A_40 : i32
    %while3A_46 = arith.addi %shift_right_arithmetic3A_40, %while3A_45 : i32
    %while3A_47 = arith.constant 1 : i32
    %while3A_48 = arith.divsi %while3A_45, %while3A_47 : i32
    %while3A_49 = arith.muli %while3A_48, %while3A_47 : i32
    %while3A_50 = arith.addi %shift_right_arithmetic3A_40, %while3A_49 : i32
    %while3A_51 = arith.constant 1 : i32
    %while3A_52 = scf.for %while3A_92 = %shift_right_arithmetic3A_40 to %while3A_50 step %while3A_51 iter_args(%while3A_93 = %while3A) -> (i32)  : i32 {
      %mul3A_94 = arith.constant 16 : i32
      %mul3A_95 = arith.muli %while3A_92, %mul3A_94 : i32
      %add3A_96 = vector.broadcast %mul3A_95 : i32 to vector<16xi32>
      %add3A_97 = arith.addi %add3A_96, %iota3A : vector<16xi32>
      %broadcast_in_dim3A_98 = arith.constant 0 : i32
      %broadcast_in_dim3A_99 = vector.broadcast %broadcast_in_dim3A_98 : i32 to vector<16xi32>
      %broadcast_in_dim3A_100 = arith.constant 20000 : i32
      %broadcast_in_dim3A_101 = vector.broadcast %broadcast_in_dim3A_100 : i32 to vector<16xi32>
      %add3A_102 = arith.addi %broadcast_in_dim3A_99, %broadcast_in_dim3A_101 : vector<16xi32>
      %shift_right_arithmetic3A_103 = arith.constant 1 : i32
      %shift_right_arithmetic3A_104 = vector.broadcast %shift_right_arithmetic3A_103 : i32 to vector<16xi32>
      %shift_right_arithmetic3A_105 = arith.shrsi %add3A_102, %shift_right_arithmetic3A_104 : vector<16xi32>
      %gather3A = tpu.vector_load_idx %arg4[%shift_right_arithmetic3A_105] : memref<20016xi32, #tpu.memory_space<vmem>>[vector<16xi32>], vector<16xi32>,
      %lt3A = arith.cmpi slt, %gather3A, %add3A_97 : vector<16xi32>
      %add3A_106 = arith.constant 1 : i32
      %add3A_107 = vector.broadcast %add3A_106 : i32 to vector<16xi32>
      %add3A_108 = arith.addi %shift_right_arithmetic3A_105, %add3A_107 : vector<16xi32>
      %select_n3A = arith.select %lt3A, %add3A_108, %broadcast_in_dim3A_99 : vector<16xi1>, vector<16xi32>
      %select_n3A_109 = arith.select %lt3A, %broadcast_in_dim3A_101, %shift_right_arithmetic3A_105 : vector<16xi1>, vector<16xi32>
      %add3A_110 = arith.addi %select_n3A, %select_n3A_109 : vector<16xi32>
      %shift_right_arithmetic3A_111 = arith.constant 1 : i32
      %shift_right_arithmetic3A_112 = vector.broadcast %shift_right_arithmetic3A_111 : i32 to vector<16xi32>
      %shift_right_arithmetic3A_113 = arith.shrsi %add3A_110, %shift_right_arithmetic3A_112 : vector<16xi32>
      %gather3A_114 = tpu.vector_load_idx %arg4[%shift_right_arithmetic3A_113] : memref<20016xi32, #tpu.memory_space<vmem>>[vector<16xi32>], vector<16xi32>,
      %lt3A_115 = arith.cmpi slt, %gather3A_114, %add3A_97 : vector<16xi32>
      %add3A_116 = arith.constant 1 : i32
      %add3A_117 = vector.broadcast %add3A_116 : i32 to vector<16xi32>
      %add3A_118 = arith.addi %shift_right_arithmetic3A_113, %add3A_117 : vector<16xi32>
      %select_n3A_119 = arith.select %lt3A_115, %add3A_118, %select_n3A : vector<16xi1>, vector<16xi32>
      %select_n3A_120 = arith.select %lt3A_115, %select_n3A_109, %shift_right_arithmetic3A_113 : vector<16xi1>, vector<16xi32>
      %add3A_121 = arith.addi %select_n3A_119, %select_n3A_120 : vector<16xi32>
      %shift_right_arithmetic3A_122 = arith.constant 1 : i32
      %shift_right_arithmetic3A_123 = vector.broadcast %shift_right_arithmetic3A_122 : i32 to vector<16xi32>
      %shift_right_arithmetic3A_124 = arith.shrsi %add3A_121, %shift_right_arithmetic3A_123 : vector<16xi32>
      %gather3A_125 = tpu.vector_load_idx %arg4[%shift_right_arithmetic3A_124] : memref<20016xi32, #tpu.memory_space<vmem>>[vector<16xi32>], vector<16xi32>,
      %lt3A_126 = arith.cmpi slt, %gather3A_125, %add3A_97 : vector<16xi32>
      %add3A_127 = arith.constant 1 : i32
      %add3A_128 = vector.broadcast %add3A_127 : i32 to vector<16xi32>
      %add3A_129 = arith.addi %shift_right_arithmetic3A_124, %add3A_128 : vector<16xi32>
      %select_n3A_130 = arith.select %lt3A_126, %add3A_129, %select_n3A_119 : vector<16xi1>, vector<16xi32>
      %select_n3A_131 = arith.select %lt3A_126, %select_n3A_120, %shift_right_arithmetic3A_124 : vector<16xi1>, vector<16xi32>
      %add3A_132 = arith.addi %select_n3A_130, %select_n3A_131 : vector<16xi32>
      %shift_right_arithmetic3A_133 = arith.constant 1 : i32
      %shift_right_arithmetic3A_134 = vector.broadcast %shift_right_arithmetic3A_133 : i32 to vector<16xi32>
      %shift_right_arithmetic3A_135 = arith.shrsi %add3A_132, %shift_right_arithmetic3A_134 : vector<16xi32>
      %gather3A_136 = tpu.vector_load_idx %arg4[%shift_right_arithmetic3A_135] : memref<20016xi32, #tpu.memory_space<vmem>>[vector<16xi32>], vector<16xi32>,
      %lt3A_137 = arith.cmpi slt, %gather3A_136, %add3A_97 : vector<16xi32>
      %add3A_138 = arith.constant 1 : i32
      %add3A_139 = vector.broadcast %add3A_138 : i32 to vector<16xi32>
      %add3A_140 = arith.addi %shift_right_arithmetic3A_135, %add3A_139 : vector<16xi32>
      %select_n3A_141 = arith.select %lt3A_137, %add3A_140, %select_n3A_130 : vector<16xi1>, vector<16xi32>
      %select_n3A_142 = arith.select %lt3A_137, %select_n3A_131, %shift_right_arithmetic3A_135 : vector<16xi1>, vector<16xi32>
      %add3A_143 = arith.addi %select_n3A_141, %select_n3A_142 : vector<16xi32>
      %shift_right_arithmetic3A_144 = arith.constant 1 : i32
      %shift_right_arithmetic3A_145 = vector.broadcast %shift_right_arithmetic3A_144 : i32 to vector<16xi32>
      %shift_right_arithmetic3A_146 = arith.shrsi %add3A_143, %shift_right_arithmetic3A_145 : vector<16xi32>
      %gather3A_147 = tpu.vector_load_idx %arg4[%shift_right_arithmetic3A_146] : memref<20016xi32, #tpu.memory_space<vmem>>[vector<16xi32>], vector<16xi32>,
      %lt3A_148 = arith.cmpi slt, %gather3A_147, %add3A_97 : vector<16xi32>
      %add3A_149 = arith.constant 1 : i32
      %add3A_150 = vector.broadcast %add3A_149 : i32 to vector<16xi32>
      %add3A_151 = arith.addi %shift_right_arithmetic3A_146, %add3A_150 : vector<16xi32>
      %select_n3A_152 = arith.select %lt3A_148, %add3A_151, %select_n3A_141 : vector<16xi1>, vector<16xi32>
      %select_n3A_153 = arith.select %lt3A_148, %select_n3A_142, %shift_right_arithmetic3A_146 : vector<16xi1>, vector<16xi32>
      %add3A_154 = arith.addi %select_n3A_152, %select_n3A_153 : vector<16xi32>
      %shift_right_arithmetic3A_155 = arith.constant 1 : i32
      %shift_right_arithmetic3A_156 = vector.broadcast %shift_right_arithmetic3A_155 : i32 to vector<16xi32>
      %shift_right_arithmetic3A_157 = arith.shrsi %add3A_154, %shift_right_arithmetic3A_156 : vector<16xi32>
      %gather3A_158 = tpu.vector_load_idx %arg4[%shift_right_arithmetic3A_157] : memref<20016xi32, #tpu.memory_space<vmem>>[vector<16xi32>], vector<16xi32>,
      %lt3A_159 = arith.cmpi slt, %gather3A_158, %add3A_97 : vector<16xi32>
      %add3A_160 = arith.constant 1 : i32
      %add3A_161 = vector.broadcast %add3A_160 : i32 to vector<16xi32>
      %add3A_162 = arith.addi %shift_right_arithmetic3A_157, %add3A_161 : vector<16xi32>
      %select_n3A_163 = arith.select %lt3A_159, %add3A_162, %select_n3A_152 : vector<16xi1>, vector<16xi32>
      %select_n3A_164 = arith.select %lt3A_159, %select_n3A_153, %shift_right_arithmetic3A_157 : vector<16xi1>, vector<16xi32>
      %add3A_165 = arith.addi %select_n3A_163, %select_n3A_164 : vector<16xi32>
      %shift_right_arithmetic3A_166 = arith.constant 1 : i32
      %shift_right_arithmetic3A_167 = vector.broadcast %shift_right_arithmetic3A_166 : i32 to vector<16xi32>
      %shift_right_arithmetic3A_168 = arith.shrsi %add3A_165, %shift_right_arithmetic3A_167 : vector<16xi32>
      %gather3A_169 = tpu.vector_load_idx %arg4[%shift_right_arithmetic3A_168] : memref<20016xi32, #tpu.memory_space<vmem>>[vector<16xi32>], vector<16xi32>,
      %lt3A_170 = arith.cmpi slt, %gather3A_169, %add3A_97 : vector<16xi32>
      %add3A_171 = arith.constant 1 : i32
      %add3A_172 = vector.broadcast %add3A_171 : i32 to vector<16xi32>
      %add3A_173 = arith.addi %shift_right_arithmetic3A_168, %add3A_172 : vector<16xi32>
      %select_n3A_174 = arith.select %lt3A_170, %add3A_173, %select_n3A_163 : vector<16xi1>, vector<16xi32>
      %select_n3A_175 = arith.select %lt3A_170, %select_n3A_164, %shift_right_arithmetic3A_168 : vector<16xi1>, vector<16xi32>
      %add3A_176 = arith.addi %select_n3A_174, %select_n3A_175 : vector<16xi32>
      %shift_right_arithmetic3A_177 = arith.constant 1 : i32
      %shift_right_arithmetic3A_178 = vector.broadcast %shift_right_arithmetic3A_177 : i32 to vector<16xi32>
      %shift_right_arithmetic3A_179 = arith.shrsi %add3A_176, %shift_right_arithmetic3A_178 : vector<16xi32>
      %gather3A_180 = tpu.vector_load_idx %arg4[%shift_right_arithmetic3A_179] : memref<20016xi32, #tpu.memory_space<vmem>>[vector<16xi32>], vector<16xi32>,
      %lt3A_181 = arith.cmpi slt, %gather3A_180, %add3A_97 : vector<16xi32>
      %add3A_182 = arith.constant 1 : i32
      %add3A_183 = vector.broadcast %add3A_182 : i32 to vector<16xi32>
      %add3A_184 = arith.addi %shift_right_arithmetic3A_179, %add3A_183 : vector<16xi32>
      %select_n3A_185 = arith.select %lt3A_181, %add3A_184, %select_n3A_174 : vector<16xi1>, vector<16xi32>
      %select_n3A_186 = arith.select %lt3A_181, %select_n3A_175, %shift_right_arithmetic3A_179 : vector<16xi1>, vector<16xi32>
      %add3A_187 = arith.addi %select_n3A_185, %select_n3A_186 : vector<16xi32>
      %shift_right_arithmetic3A_188 = arith.constant 1 : i32
      %shift_right_arithmetic3A_189 = vector.broadcast %shift_right_arithmetic3A_188 : i32 to vector<16xi32>
      %shift_right_arithmetic3A_190 = arith.shrsi %add3A_187, %shift_right_arithmetic3A_189 : vector<16xi32>
      %gather3A_191 = tpu.vector_load_idx %arg4[%shift_right_arithmetic3A_190] : memref<20016xi32, #tpu.memory_space<vmem>>[vector<16xi32>], vector<16xi32>,
      %lt3A_192 = arith.cmpi slt, %gather3A_191, %add3A_97 : vector<16xi32>
      %add3A_193 = arith.constant 1 : i32
      %add3A_194 = vector.broadcast %add3A_193 : i32 to vector<16xi32>
      %add3A_195 = arith.addi %shift_right_arithmetic3A_190, %add3A_194 : vector<16xi32>
      %select_n3A_196 = arith.select %lt3A_192, %add3A_195, %select_n3A_185 : vector<16xi1>, vector<16xi32>
      %select_n3A_197 = arith.select %lt3A_192, %select_n3A_186, %shift_right_arithmetic3A_190 : vector<16xi1>, vector<16xi32>
      %add3A_198 = arith.addi %select_n3A_196, %select_n3A_197 : vector<16xi32>
      %shift_right_arithmetic3A_199 = arith.constant 1 : i32
      %shift_right_arithmetic3A_200 = vector.broadcast %shift_right_arithmetic3A_199 : i32 to vector<16xi32>
      %shift_right_arithmetic3A_201 = arith.shrsi %add3A_198, %shift_right_arithmetic3A_200 : vector<16xi32>
      %gather3A_202 = tpu.vector_load_idx %arg4[%shift_right_arithmetic3A_201] : memref<20016xi32, #tpu.memory_space<vmem>>[vector<16xi32>], vector<16xi32>,
      %lt3A_203 = arith.cmpi slt, %gather3A_202, %add3A_97 : vector<16xi32>
      %add3A_204 = arith.constant 1 : i32
      %add3A_205 = vector.broadcast %add3A_204 : i32 to vector<16xi32>
      %add3A_206 = arith.addi %shift_right_arithmetic3A_201, %add3A_205 : vector<16xi32>
      %select_n3A_207 = arith.select %lt3A_203, %add3A_206, %select_n3A_196 : vector<16xi1>, vector<16xi32>
      %select_n3A_208 = arith.select %lt3A_203, %select_n3A_197, %shift_right_arithmetic3A_201 : vector<16xi1>, vector<16xi32>
      %add3A_209 = arith.addi %select_n3A_207, %select_n3A_208 : vector<16xi32>
      %shift_right_arithmetic3A_210 = arith.constant 1 : i32
      %shift_right_arithmetic3A_211 = vector.broadcast %shift_right_arithmetic3A_210 : i32 to vector<16xi32>
      %shift_right_arithmetic3A_212 = arith.shrsi %add3A_209, %shift_right_arithmetic3A_211 : vector<16xi32>
      %gather3A_213 = tpu.vector_load_idx %arg4[%shift_right_arithmetic3A_212] : memref<20016xi32, #tpu.memory_space<vmem>>[vector<16xi32>], vector<16xi32>,
      %lt3A_214 = arith.cmpi slt, %gather3A_213, %add3A_97 : vector<16xi32>
      %add3A_215 = arith.constant 1 : i32
      %add3A_216 = vector.broadcast %add3A_215 : i32 to vector<16xi32>
      %add3A_217 = arith.addi %shift_right_arithmetic3A_212, %add3A_216 : vector<16xi32>
      %select_n3A_218 = arith.select %lt3A_214, %add3A_217, %select_n3A_207 : vector<16xi1>, vector<16xi32>
      %select_n3A_219 = arith.select %lt3A_214, %select_n3A_208, %shift_right_arithmetic3A_212 : vector<16xi1>, vector<16xi32>
      %add3A_220 = arith.addi %select_n3A_218, %select_n3A_219 : vector<16xi32>
      %shift_right_arithmetic3A_221 = arith.constant 1 : i32
      %shift_right_arithmetic3A_222 = vector.broadcast %shift_right_arithmetic3A_221 : i32 to vector<16xi32>
      %shift_right_arithmetic3A_223 = arith.shrsi %add3A_220, %shift_right_arithmetic3A_222 : vector<16xi32>
      %gather3A_224 = tpu.vector_load_idx %arg4[%shift_right_arithmetic3A_223] : memref<20016xi32, #tpu.memory_space<vmem>>[vector<16xi32>], vector<16xi32>,
      %lt3A_225 = arith.cmpi slt, %gather3A_224, %add3A_97 : vector<16xi32>
      %add3A_226 = arith.constant 1 : i32
      %add3A_227 = vector.broadcast %add3A_226 : i32 to vector<16xi32>
      %add3A_228 = arith.addi %shift_right_arithmetic3A_223, %add3A_227 : vector<16xi32>
      %select_n3A_229 = arith.select %lt3A_225, %add3A_228, %select_n3A_218 : vector<16xi1>, vector<16xi32>
      %select_n3A_230 = arith.select %lt3A_225, %select_n3A_219, %shift_right_arithmetic3A_223 : vector<16xi1>, vector<16xi32>
      %add3A_231 = arith.addi %select_n3A_229, %select_n3A_230 : vector<16xi32>
      %shift_right_arithmetic3A_232 = arith.constant 1 : i32
      %shift_right_arithmetic3A_233 = vector.broadcast %shift_right_arithmetic3A_232 : i32 to vector<16xi32>
      %shift_right_arithmetic3A_234 = arith.shrsi %add3A_231, %shift_right_arithmetic3A_233 : vector<16xi32>
      %gather3A_235 = tpu.vector_load_idx %arg4[%shift_right_arithmetic3A_234] : memref<20016xi32, #tpu.memory_space<vmem>>[vector<16xi32>], vector<16xi32>,
      %lt3A_236 = arith.cmpi slt, %gather3A_235, %add3A_97 : vector<16xi32>
      %add3A_237 = arith.constant 1 : i32
      %add3A_238 = vector.broadcast %add3A_237 : i32 to vector<16xi32>
      %add3A_239 = arith.addi %shift_right_arithmetic3A_234, %add3A_238 : vector<16xi32>
      %select_n3A_240 = arith.select %lt3A_236, %add3A_239, %select_n3A_229 : vector<16xi1>, vector<16xi32>
      %select_n3A_241 = arith.select %lt3A_236, %select_n3A_230, %shift_right_arithmetic3A_234 : vector<16xi1>, vector<16xi32>
      %add3A_242 = arith.addi %select_n3A_240, %select_n3A_241 : vector<16xi32>
      %shift_right_arithmetic3A_243 = arith.constant 1 : i32
      %shift_right_arithmetic3A_244 = vector.broadcast %shift_right_arithmetic3A_243 : i32 to vector<16xi32>
      %shift_right_arithmetic3A_245 = arith.shrsi %add3A_242, %shift_right_arithmetic3A_244 : vector<16xi32>
      %gather3A_246 = tpu.vector_load_idx %arg4[%shift_right_arithmetic3A_245] : memref<20016xi32, #tpu.memory_space<vmem>>[vector<16xi32>], vector<16xi32>,
      %lt3A_247 = arith.cmpi slt, %gather3A_246, %add3A_97 : vector<16xi32>
      %add3A_248 = arith.constant 1 : i32
      %add3A_249 = vector.broadcast %add3A_248 : i32 to vector<16xi32>
      %add3A_250 = arith.addi %shift_right_arithmetic3A_245, %add3A_249 : vector<16xi32>
      %select_n3A_251 = arith.select %lt3A_247, %add3A_250, %select_n3A_240 : vector<16xi1>, vector<16xi32>
      %select_n3A_252 = arith.select %lt3A_247, %select_n3A_241, %shift_right_arithmetic3A_245 : vector<16xi1>, vector<16xi32>
      %add3A_253 = arith.addi %select_n3A_251, %select_n3A_252 : vector<16xi32>
      %shift_right_arithmetic3A_254 = arith.constant 1 : i32
      %shift_right_arithmetic3A_255 = vector.broadcast %shift_right_arithmetic3A_254 : i32 to vector<16xi32>
      %shift_right_arithmetic3A_256 = arith.shrsi %add3A_253, %shift_right_arithmetic3A_255 : vector<16xi32>
      %gather3A_257 = tpu.vector_load_idx %arg4[%shift_right_arithmetic3A_256] : memref<20016xi32, #tpu.memory_space<vmem>>[vector<16xi32>], vector<16xi32>,
      %lt3A_258 = arith.cmpi slt, %gather3A_257, %add3A_97 : vector<16xi32>
      %add3A_259 = arith.constant 1 : i32
      %add3A_260 = vector.broadcast %add3A_259 : i32 to vector<16xi32>
      %add3A_261 = arith.addi %shift_right_arithmetic3A_256, %add3A_260 : vector<16xi32>
      %select_n3A_262 = arith.select %lt3A_258, %add3A_261, %select_n3A_251 : vector<16xi1>, vector<16xi32>
      %select_n3A_263 = arith.select %lt3A_258, %select_n3A_252, %shift_right_arithmetic3A_256 : vector<16xi1>, vector<16xi32>
      %mul3A_264 = arith.constant 16 : i32
      %mul3A_265 = arith.muli %while3A_92, %mul3A_264 : i32
      %swap3A_266 = arith.index_cast %mul3A_265 : i32 to index
      %swap3A_267 = tpu.vector_load %arg5[%swap3A_266] {strides = array<i32>} : memref<544xi32, #tpu.memory_space<vmem>>, vector<16xi32>,
      tpu.vector_store %arg5[%swap3A_266], %select_n3A_262 {strides = array<i32>} : memref<544xi32, #tpu.memory_space<vmem>>, vector<16xi32>,
      %while3A_268 = arith.constant 0 : i32
      scf.yield %while3A_268 : i32
    }
    %while3A_53 = arith.constant 1 : i32
    %while3A_54 = scf.for %while3A_92 = %while3A_50 to %while3A_46 step %while3A_53 iter_args(%while3A_93 = %while3A_52) -> (i32)  : i32 {
      %mul3A_94 = arith.constant 16 : i32
      %mul3A_95 = arith.muli %while3A_92, %mul3A_94 : i32
      %add3A_96 = vector.broadcast %mul3A_95 : i32 to vector<16xi32>
      %add3A_97 = arith.addi %add3A_96, %iota3A : vector<16xi32>
      %broadcast_in_dim3A_98 = arith.constant 0 : i32
      %broadcast_in_dim3A_99 = vector.broadcast %broadcast_in_dim3A_98 : i32 to vector<16xi32>
      %broadcast_in_dim3A_100 = arith.constant 20000 : i32
      %broadcast_in_dim3A_101 = vector.broadcast %broadcast_in_dim3A_100 : i32 to vector<16xi32>
      %add3A_102 = arith.addi %broadcast_in_dim3A_99, %broadcast_in_dim3A_101 : vector<16xi32>
      %shift_right_arithmetic3A_103 = arith.constant 1 : i32
      %shift_right_arithmetic3A_104 = vector.broadcast %shift_right_arithmetic3A_103 : i32 to vector<16xi32>
      %shift_right_arithmetic3A_105 = arith.shrsi %add3A_102, %shift_right_arithmetic3A_104 : vector<16xi32>
      %gather3A = tpu.vector_load_idx %arg4[%shift_right_arithmetic3A_105] : memref<20016xi32, #tpu.memory_space<vmem>>[vector<16xi32>], vector<16xi32>,
      %lt3A = arith.cmpi slt, %gather3A, %add3A_97 : vector<16xi32>
      %add3A_106 = arith.constant 1 : i32
      %add3A_107 = vector.broadcast %add3A_106 : i32 to vector<16xi32>
      %add3A_108 = arith.addi %shift_right_arithmetic3A_105, %add3A_107 : vector<16xi32>
      %select_n3A = arith.select %lt3A, %add3A_108, %broadcast_in_dim3A_99 : vector<16xi1>, vector<16xi32>
      %select_n3A_109 = arith.select %lt3A, %broadcast_in_dim3A_101, %shift_right_arithmetic3A_105 : vector<16xi1>, vector<16xi32>
      %add3A_110 = arith.addi %select_n3A, %select_n3A_109 : vector<16xi32>
      %shift_right_arithmetic3A_111 = arith.constant 1 : i32
      %shift_right_arithmetic3A_112 = vector.broadcast %shift_right_arithmetic3A_111 : i32 to vector<16xi32>
      %shift_right_arithmetic3A_113 = arith.shrsi %add3A_110, %shift_right_arithmetic3A_112 : vector<16xi32>
      %gather3A_114 = tpu.vector_load_idx %arg4[%shift_right_arithmetic3A_113] : memref<20016xi32, #tpu.memory_space<vmem>>[vector<16xi32>], vector<16xi32>,
      %lt3A_115 = arith.cmpi slt, %gather3A_114, %add3A_97 : vector<16xi32>
      %add3A_116 = arith.constant 1 : i32
      %add3A_117 = vector.broadcast %add3A_116 : i32 to vector<16xi32>
      %add3A_118 = arith.addi %shift_right_arithmetic3A_113, %add3A_117 : vector<16xi32>
      %select_n3A_119 = arith.select %lt3A_115, %add3A_118, %select_n3A : vector<16xi1>, vector<16xi32>
      %select_n3A_120 = arith.select %lt3A_115, %select_n3A_109, %shift_right_arithmetic3A_113 : vector<16xi1>, vector<16xi32>
      %add3A_121 = arith.addi %select_n3A_119, %select_n3A_120 : vector<16xi32>
      %shift_right_arithmetic3A_122 = arith.constant 1 : i32
      %shift_right_arithmetic3A_123 = vector.broadcast %shift_right_arithmetic3A_122 : i32 to vector<16xi32>
      %shift_right_arithmetic3A_124 = arith.shrsi %add3A_121, %shift_right_arithmetic3A_123 : vector<16xi32>
      %gather3A_125 = tpu.vector_load_idx %arg4[%shift_right_arithmetic3A_124] : memref<20016xi32, #tpu.memory_space<vmem>>[vector<16xi32>], vector<16xi32>,
      %lt3A_126 = arith.cmpi slt, %gather3A_125, %add3A_97 : vector<16xi32>
      %add3A_127 = arith.constant 1 : i32
      %add3A_128 = vector.broadcast %add3A_127 : i32 to vector<16xi32>
      %add3A_129 = arith.addi %shift_right_arithmetic3A_124, %add3A_128 : vector<16xi32>
      %select_n3A_130 = arith.select %lt3A_126, %add3A_129, %select_n3A_119 : vector<16xi1>, vector<16xi32>
      %select_n3A_131 = arith.select %lt3A_126, %select_n3A_120, %shift_right_arithmetic3A_124 : vector<16xi1>, vector<16xi32>
      %add3A_132 = arith.addi %select_n3A_130, %select_n3A_131 : vector<16xi32>
      %shift_right_arithmetic3A_133 = arith.constant 1 : i32
      %shift_right_arithmetic3A_134 = vector.broadcast %shift_right_arithmetic3A_133 : i32 to vector<16xi32>
      %shift_right_arithmetic3A_135 = arith.shrsi %add3A_132, %shift_right_arithmetic3A_134 : vector<16xi32>
      %gather3A_136 = tpu.vector_load_idx %arg4[%shift_right_arithmetic3A_135] : memref<20016xi32, #tpu.memory_space<vmem>>[vector<16xi32>], vector<16xi32>,
      %lt3A_137 = arith.cmpi slt, %gather3A_136, %add3A_97 : vector<16xi32>
      %add3A_138 = arith.constant 1 : i32
      %add3A_139 = vector.broadcast %add3A_138 : i32 to vector<16xi32>
      %add3A_140 = arith.addi %shift_right_arithmetic3A_135, %add3A_139 : vector<16xi32>
      %select_n3A_141 = arith.select %lt3A_137, %add3A_140, %select_n3A_130 : vector<16xi1>, vector<16xi32>
      %select_n3A_142 = arith.select %lt3A_137, %select_n3A_131, %shift_right_arithmetic3A_135 : vector<16xi1>, vector<16xi32>
      %add3A_143 = arith.addi %select_n3A_141, %select_n3A_142 : vector<16xi32>
      %shift_right_arithmetic3A_144 = arith.constant 1 : i32
      %shift_right_arithmetic3A_145 = vector.broadcast %shift_right_arithmetic3A_144 : i32 to vector<16xi32>
      %shift_right_arithmetic3A_146 = arith.shrsi %add3A_143, %shift_right_arithmetic3A_145 : vector<16xi32>
      %gather3A_147 = tpu.vector_load_idx %arg4[%shift_right_arithmetic3A_146] : memref<20016xi32, #tpu.memory_space<vmem>>[vector<16xi32>], vector<16xi32>,
      %lt3A_148 = arith.cmpi slt, %gather3A_147, %add3A_97 : vector<16xi32>
      %add3A_149 = arith.constant 1 : i32
      %add3A_150 = vector.broadcast %add3A_149 : i32 to vector<16xi32>
      %add3A_151 = arith.addi %shift_right_arithmetic3A_146, %add3A_150 : vector<16xi32>
      %select_n3A_152 = arith.select %lt3A_148, %add3A_151, %select_n3A_141 : vector<16xi1>, vector<16xi32>
      %select_n3A_153 = arith.select %lt3A_148, %select_n3A_142, %shift_right_arithmetic3A_146 : vector<16xi1>, vector<16xi32>
      %add3A_154 = arith.addi %select_n3A_152, %select_n3A_153 : vector<16xi32>
      %shift_right_arithmetic3A_155 = arith.constant 1 : i32
      %shift_right_arithmetic3A_156 = vector.broadcast %shift_right_arithmetic3A_155 : i32 to vector<16xi32>
      %shift_right_arithmetic3A_157 = arith.shrsi %add3A_154, %shift_right_arithmetic3A_156 : vector<16xi32>
      %gather3A_158 = tpu.vector_load_idx %arg4[%shift_right_arithmetic3A_157] : memref<20016xi32, #tpu.memory_space<vmem>>[vector<16xi32>], vector<16xi32>,
      %lt3A_159 = arith.cmpi slt, %gather3A_158, %add3A_97 : vector<16xi32>
      %add3A_160 = arith.constant 1 : i32
      %add3A_161 = vector.broadcast %add3A_160 : i32 to vector<16xi32>
      %add3A_162 = arith.addi %shift_right_arithmetic3A_157, %add3A_161 : vector<16xi32>
      %select_n3A_163 = arith.select %lt3A_159, %add3A_162, %select_n3A_152 : vector<16xi1>, vector<16xi32>
      %select_n3A_164 = arith.select %lt3A_159, %select_n3A_153, %shift_right_arithmetic3A_157 : vector<16xi1>, vector<16xi32>
      %add3A_165 = arith.addi %select_n3A_163, %select_n3A_164 : vector<16xi32>
      %shift_right_arithmetic3A_166 = arith.constant 1 : i32
      %shift_right_arithmetic3A_167 = vector.broadcast %shift_right_arithmetic3A_166 : i32 to vector<16xi32>
      %shift_right_arithmetic3A_168 = arith.shrsi %add3A_165, %shift_right_arithmetic3A_167 : vector<16xi32>
      %gather3A_169 = tpu.vector_load_idx %arg4[%shift_right_arithmetic3A_168] : memref<20016xi32, #tpu.memory_space<vmem>>[vector<16xi32>], vector<16xi32>,
      %lt3A_170 = arith.cmpi slt, %gather3A_169, %add3A_97 : vector<16xi32>
      %add3A_171 = arith.constant 1 : i32
      %add3A_172 = vector.broadcast %add3A_171 : i32 to vector<16xi32>
      %add3A_173 = arith.addi %shift_right_arithmetic3A_168, %add3A_172 : vector<16xi32>
      %select_n3A_174 = arith.select %lt3A_170, %add3A_173, %select_n3A_163 : vector<16xi1>, vector<16xi32>
      %select_n3A_175 = arith.select %lt3A_170, %select_n3A_164, %shift_right_arithmetic3A_168 : vector<16xi1>, vector<16xi32>
      %add3A_176 = arith.addi %select_n3A_174, %select_n3A_175 : vector<16xi32>
      %shift_right_arithmetic3A_177 = arith.constant 1 : i32
      %shift_right_arithmetic3A_178 = vector.broadcast %shift_right_arithmetic3A_177 : i32 to vector<16xi32>
      %shift_right_arithmetic3A_179 = arith.shrsi %add3A_176, %shift_right_arithmetic3A_178 : vector<16xi32>
      %gather3A_180 = tpu.vector_load_idx %arg4[%shift_right_arithmetic3A_179] : memref<20016xi32, #tpu.memory_space<vmem>>[vector<16xi32>], vector<16xi32>,
      %lt3A_181 = arith.cmpi slt, %gather3A_180, %add3A_97 : vector<16xi32>
      %add3A_182 = arith.constant 1 : i32
      %add3A_183 = vector.broadcast %add3A_182 : i32 to vector<16xi32>
      %add3A_184 = arith.addi %shift_right_arithmetic3A_179, %add3A_183 : vector<16xi32>
      %select_n3A_185 = arith.select %lt3A_181, %add3A_184, %select_n3A_174 : vector<16xi1>, vector<16xi32>
      %select_n3A_186 = arith.select %lt3A_181, %select_n3A_175, %shift_right_arithmetic3A_179 : vector<16xi1>, vector<16xi32>
      %add3A_187 = arith.addi %select_n3A_185, %select_n3A_186 : vector<16xi32>
      %shift_right_arithmetic3A_188 = arith.constant 1 : i32
      %shift_right_arithmetic3A_189 = vector.broadcast %shift_right_arithmetic3A_188 : i32 to vector<16xi32>
      %shift_right_arithmetic3A_190 = arith.shrsi %add3A_187, %shift_right_arithmetic3A_189 : vector<16xi32>
      %gather3A_191 = tpu.vector_load_idx %arg4[%shift_right_arithmetic3A_190] : memref<20016xi32, #tpu.memory_space<vmem>>[vector<16xi32>], vector<16xi32>,
      %lt3A_192 = arith.cmpi slt, %gather3A_191, %add3A_97 : vector<16xi32>
      %add3A_193 = arith.constant 1 : i32
      %add3A_194 = vector.broadcast %add3A_193 : i32 to vector<16xi32>
      %add3A_195 = arith.addi %shift_right_arithmetic3A_190, %add3A_194 : vector<16xi32>
      %select_n3A_196 = arith.select %lt3A_192, %add3A_195, %select_n3A_185 : vector<16xi1>, vector<16xi32>
      %select_n3A_197 = arith.select %lt3A_192, %select_n3A_186, %shift_right_arithmetic3A_190 : vector<16xi1>, vector<16xi32>
      %add3A_198 = arith.addi %select_n3A_196, %select_n3A_197 : vector<16xi32>
      %shift_right_arithmetic3A_199 = arith.constant 1 : i32
      %shift_right_arithmetic3A_200 = vector.broadcast %shift_right_arithmetic3A_199 : i32 to vector<16xi32>
      %shift_right_arithmetic3A_201 = arith.shrsi %add3A_198, %shift_right_arithmetic3A_200 : vector<16xi32>
      %gather3A_202 = tpu.vector_load_idx %arg4[%shift_right_arithmetic3A_201] : memref<20016xi32, #tpu.memory_space<vmem>>[vector<16xi32>], vector<16xi32>,
      %lt3A_203 = arith.cmpi slt, %gather3A_202, %add3A_97 : vector<16xi32>
      %add3A_204 = arith.constant 1 : i32
      %add3A_205 = vector.broadcast %add3A_204 : i32 to vector<16xi32>
      %add3A_206 = arith.addi %shift_right_arithmetic3A_201, %add3A_205 : vector<16xi32>
      %select_n3A_207 = arith.select %lt3A_203, %add3A_206, %select_n3A_196 : vector<16xi1>, vector<16xi32>
      %select_n3A_208 = arith.select %lt3A_203, %select_n3A_197, %shift_right_arithmetic3A_201 : vector<16xi1>, vector<16xi32>
      %add3A_209 = arith.addi %select_n3A_207, %select_n3A_208 : vector<16xi32>
      %shift_right_arithmetic3A_210 = arith.constant 1 : i32
      %shift_right_arithmetic3A_211 = vector.broadcast %shift_right_arithmetic3A_210 : i32 to vector<16xi32>
      %shift_right_arithmetic3A_212 = arith.shrsi %add3A_209, %shift_right_arithmetic3A_211 : vector<16xi32>
      %gather3A_213 = tpu.vector_load_idx %arg4[%shift_right_arithmetic3A_212] : memref<20016xi32, #tpu.memory_space<vmem>>[vector<16xi32>], vector<16xi32>,
      %lt3A_214 = arith.cmpi slt, %gather3A_213, %add3A_97 : vector<16xi32>
      %add3A_215 = arith.constant 1 : i32
      %add3A_216 = vector.broadcast %add3A_215 : i32 to vector<16xi32>
      %add3A_217 = arith.addi %shift_right_arithmetic3A_212, %add3A_216 : vector<16xi32>
      %select_n3A_218 = arith.select %lt3A_214, %add3A_217, %select_n3A_207 : vector<16xi1>, vector<16xi32>
      %select_n3A_219 = arith.select %lt3A_214, %select_n3A_208, %shift_right_arithmetic3A_212 : vector<16xi1>, vector<16xi32>
      %add3A_220 = arith.addi %select_n3A_218, %select_n3A_219 : vector<16xi32>
      %shift_right_arithmetic3A_221 = arith.constant 1 : i32
      %shift_right_arithmetic3A_222 = vector.broadcast %shift_right_arithmetic3A_221 : i32 to vector<16xi32>
      %shift_right_arithmetic3A_223 = arith.shrsi %add3A_220, %shift_right_arithmetic3A_222 : vector<16xi32>
      %gather3A_224 = tpu.vector_load_idx %arg4[%shift_right_arithmetic3A_223] : memref<20016xi32, #tpu.memory_space<vmem>>[vector<16xi32>], vector<16xi32>,
      %lt3A_225 = arith.cmpi slt, %gather3A_224, %add3A_97 : vector<16xi32>
      %add3A_226 = arith.constant 1 : i32
      %add3A_227 = vector.broadcast %add3A_226 : i32 to vector<16xi32>
      %add3A_228 = arith.addi %shift_right_arithmetic3A_223, %add3A_227 : vector<16xi32>
      %select_n3A_229 = arith.select %lt3A_225, %add3A_228, %select_n3A_218 : vector<16xi1>, vector<16xi32>
      %select_n3A_230 = arith.select %lt3A_225, %select_n3A_219, %shift_right_arithmetic3A_223 : vector<16xi1>, vector<16xi32>
      %add3A_231 = arith.addi %select_n3A_229, %select_n3A_230 : vector<16xi32>
      %shift_right_arithmetic3A_232 = arith.constant 1 : i32
      %shift_right_arithmetic3A_233 = vector.broadcast %shift_right_arithmetic3A_232 : i32 to vector<16xi32>
      %shift_right_arithmetic3A_234 = arith.shrsi %add3A_231, %shift_right_arithmetic3A_233 : vector<16xi32>
      %gather3A_235 = tpu.vector_load_idx %arg4[%shift_right_arithmetic3A_234] : memref<20016xi32, #tpu.memory_space<vmem>>[vector<16xi32>], vector<16xi32>,
      %lt3A_236 = arith.cmpi slt, %gather3A_235, %add3A_97 : vector<16xi32>
      %add3A_237 = arith.constant 1 : i32
      %add3A_238 = vector.broadcast %add3A_237 : i32 to vector<16xi32>
      %add3A_239 = arith.addi %shift_right_arithmetic3A_234, %add3A_238 : vector<16xi32>
      %select_n3A_240 = arith.select %lt3A_236, %add3A_239, %select_n3A_229 : vector<16xi1>, vector<16xi32>
      %select_n3A_241 = arith.select %lt3A_236, %select_n3A_230, %shift_right_arithmetic3A_234 : vector<16xi1>, vector<16xi32>
      %add3A_242 = arith.addi %select_n3A_240, %select_n3A_241 : vector<16xi32>
      %shift_right_arithmetic3A_243 = arith.constant 1 : i32
      %shift_right_arithmetic3A_244 = vector.broadcast %shift_right_arithmetic3A_243 : i32 to vector<16xi32>
      %shift_right_arithmetic3A_245 = arith.shrsi %add3A_242, %shift_right_arithmetic3A_244 : vector<16xi32>
      %gather3A_246 = tpu.vector_load_idx %arg4[%shift_right_arithmetic3A_245] : memref<20016xi32, #tpu.memory_space<vmem>>[vector<16xi32>], vector<16xi32>,
      %lt3A_247 = arith.cmpi slt, %gather3A_246, %add3A_97 : vector<16xi32>
      %add3A_248 = arith.constant 1 : i32
      %add3A_249 = vector.broadcast %add3A_248 : i32 to vector<16xi32>
      %add3A_250 = arith.addi %shift_right_arithmetic3A_245, %add3A_249 : vector<16xi32>
      %select_n3A_251 = arith.select %lt3A_247, %add3A_250, %select_n3A_240 : vector<16xi1>, vector<16xi32>
      %select_n3A_252 = arith.select %lt3A_247, %select_n3A_241, %shift_right_arithmetic3A_245 : vector<16xi1>, vector<16xi32>
      %add3A_253 = arith.addi %select_n3A_251, %select_n3A_252 : vector<16xi32>
      %shift_right_arithmetic3A_254 = arith.constant 1 : i32
      %shift_right_arithmetic3A_255 = vector.broadcast %shift_right_arithmetic3A_254 : i32 to vector<16xi32>
      %shift_right_arithmetic3A_256 = arith.shrsi %add3A_253, %shift_right_arithmetic3A_255 : vector<16xi32>
      %gather3A_257 = tpu.vector_load_idx %arg4[%shift_right_arithmetic3A_256] : memref<20016xi32, #tpu.memory_space<vmem>>[vector<16xi32>], vector<16xi32>,
      %lt3A_258 = arith.cmpi slt, %gather3A_257, %add3A_97 : vector<16xi32>
      %add3A_259 = arith.constant 1 : i32
      %add3A_260 = vector.broadcast %add3A_259 : i32 to vector<16xi32>
      %add3A_261 = arith.addi %shift_right_arithmetic3A_256, %add3A_260 : vector<16xi32>
      %select_n3A_262 = arith.select %lt3A_258, %add3A_261, %select_n3A_251 : vector<16xi1>, vector<16xi32>
      %select_n3A_263 = arith.select %lt3A_258, %select_n3A_252, %shift_right_arithmetic3A_256 : vector<16xi1>, vector<16xi32>
      %mul3A_264 = arith.constant 16 : i32
      %mul3A_265 = arith.muli %while3A_92, %mul3A_264 : i32
      %swap3A_266 = arith.index_cast %mul3A_265 : i32 to index
      %swap3A_267 = tpu.vector_load %arg5[%swap3A_266] {strides = array<i32>} : memref<544xi32, #tpu.memory_space<vmem>>, vector<16xi32>,
      tpu.vector_store %arg5[%swap3A_266], %select_n3A_262 {strides = array<i32>} : memref<544xi32, #tpu.memory_space<vmem>>, vector<16xi32>,
      %while3A_268 = arith.constant 0 : i32
      scf.yield %while3A_268 : i32
    }
    %add3A_55 = arith.constant 1 : i32
    %add3A_56 = arith.addi %shift_right_arithmetic3A_42, %add3A_55 : i32
    %while3A_57 = arith.constant 0 : i32
    %while3A_58 = arith.subi %add3A_56, %shift_right_arithmetic3A_40 : i32
    %while3A_59 = arith.addi %shift_right_arithmetic3A_40, %while3A_58 : i32
    %while3A_60 = arith.constant 1 : i32
    %while3A_61 = arith.divsi %while3A_58, %while3A_60 : i32
    %while3A_62 = arith.muli %while3A_61, %while3A_60 : i32
    %while3A_63 = arith.addi %shift_right_arithmetic3A_40, %while3A_62 : i32
    %while3A_64 = arith.constant 1 : i32
    %while3A_65 = scf.for %while3A_92 = %shift_right_arithmetic3A_40 to %while3A_63 step %while3A_64 iter_args(%while3A_93 = %while3A_57) -> (i32)  : i32 {
      %mul3A_94 = arith.constant 16 : i32
      %mul3A_95 = arith.muli %while3A_92, %mul3A_94 : i32
      %get3A_96 = arith.index_cast %mul3A_95 : i32 to index
      %get3A_97 = tpu.vector_load %arg5[%get3A_96] {strides = array<i32>} : memref<544xi32, #tpu.memory_space<vmem>>, vector<16xi32>,
      %add3A_98 = arith.constant 1 : i32
      %add3A_99 = arith.addi %mul3A_95, %add3A_98 : i32
      %add3A_100 = vector.broadcast %add3A_99 : i32 to vector<16xi32>
      %add3A_101 = arith.addi %add3A_100, %iota3A : vector<16xi32>
      %gather3A = tpu.vector_load_idx %arg5[%add3A_101] : memref<544xi32, #tpu.memory_space<vmem>>[vector<16xi32>], vector<16xi32>,
      %sub3A = arith.subi %gather3A, %get3A_97 : vector<16xi32>
      %swap3A_102 = arith.index_cast %mul3A_95 : i32 to index
      %swap3A_103 = tpu.vector_load %arg6[%swap3A_102] {strides = array<i32>} : memref<512xi32, #tpu.memory_space<vmem>>, vector<16xi32>,
      tpu.vector_store %arg6[%swap3A_102], %sub3A {strides = array<i32>} : memref<512xi32, #tpu.memory_space<vmem>>, vector<16xi32>,
      %while3A_104 = arith.constant 0 : i32
      scf.yield %while3A_104 : i32
    }
    %while3A_66 = arith.constant 1 : i32
    %while3A_67 = scf.for %while3A_92 = %while3A_63 to %while3A_59 step %while3A_66 iter_args(%while3A_93 = %while3A_65) -> (i32)  : i32 {
      %mul3A_94 = arith.constant 16 : i32
      %mul3A_95 = arith.muli %while3A_92, %mul3A_94 : i32
      %get3A_96 = arith.index_cast %mul3A_95 : i32 to index
      %get3A_97 = tpu.vector_load %arg5[%get3A_96] {strides = array<i32>} : memref<544xi32, #tpu.memory_space<vmem>>, vector<16xi32>,
      %add3A_98 = arith.constant 1 : i32
      %add3A_99 = arith.addi %mul3A_95, %add3A_98 : i32
      %add3A_100 = vector.broadcast %add3A_99 : i32 to vector<16xi32>
      %add3A_101 = arith.addi %add3A_100, %iota3A : vector<16xi32>
      %gather3A = tpu.vector_load_idx %arg5[%add3A_101] : memref<544xi32, #tpu.memory_space<vmem>>[vector<16xi32>], vector<16xi32>,
      %sub3A = arith.subi %gather3A, %get3A_97 : vector<16xi32>
      %swap3A_102 = arith.index_cast %mul3A_95 : i32 to index
      %swap3A_103 = tpu.vector_load %arg6[%swap3A_102] {strides = array<i32>} : memref<512xi32, #tpu.memory_space<vmem>>, vector<16xi32>,
      tpu.vector_store %arg6[%swap3A_102], %sub3A {strides = array<i32>} : memref<512xi32, #tpu.memory_space<vmem>>, vector<16xi32>,
      %while3A_104 = arith.constant 0 : i32
      scf.yield %while3A_104 : i32
    }
    "tpu.region"() ({
      %run_scoped3A = tpu.sem_alloc : memref<!tpu.dma_semaphore, #tpu.memory_space<semaphore_mem>>
      %dma_start3A_92 = arith.constant 0 : i32
      %dma_start3A_93 = tpu.memref_slice %arg8[%arg1, %dma_start3A_92] : memref<16x512xi32, #tpu.memory_space<vmem_shared>> -> memref<1x512xi32, #tpu.memory_space<vmem_shared>>
      %dma_start3A_94 = tpu.memref_squeeze %dma_start3A_93 : memref<1x512xi32, #tpu.memory_space<vmem_shared>> -> memref<512xi32, #tpu.memory_space<vmem_shared>>
      %dma_start3A_95 = arith.constant 0 : i32
      %dma_start3A_96 = tpu.memref_slice %arg8[%arg1, %dma_start3A_95] : memref<16x512xi32, #tpu.memory_space<vmem_shared>> -> memref<1x512xi32, #tpu.memory_space<vmem_shared>>
      %dma_start3A_97 = tpu.memref_squeeze %dma_start3A_96 : memref<1x512xi32, #tpu.memory_space<vmem_shared>> -> memref<512xi32, #tpu.memory_space<vmem_shared>>
      tpu.enqueue_dma source(%arg6 : memref<512xi32, #tpu.memory_space<vmem>>) target(%dma_start3A_97 : memref<512xi32, #tpu.memory_space<vmem_shared>>) target_semaphore(%run_scoped3A : memref<!tpu.dma_semaphore, #tpu.memory_space<semaphore_mem>>)
      %dma_wait3A_98 = arith.constant 0 : i32
      %dma_wait3A_99 = tpu.memref_slice %arg8[%arg1, %dma_wait3A_98] : memref<16x512xi32, #tpu.memory_space<vmem_shared>> -> memref<1x512xi32, #tpu.memory_space<vmem_shared>>
      %dma_wait3A_100 = tpu.memref_squeeze %dma_wait3A_99 : memref<1x512xi32, #tpu.memory_space<vmem_shared>> -> memref<512xi32, #tpu.memory_space<vmem_shared>>
      %dma_wait3A_101 = arith.constant 0 : i32
      %dma_wait3A_102 = tpu.memref_slice %arg8[%arg1, %dma_wait3A_101] : memref<16x512xi32, #tpu.memory_space<vmem_shared>> -> memref<1x512xi32, #tpu.memory_space<vmem_shared>>
      %dma_wait3A_103 = tpu.memref_squeeze %dma_wait3A_102 : memref<1x512xi32, #tpu.memory_space<vmem_shared>> -> memref<512xi32, #tpu.memory_space<vmem_shared>>
      tpu.wait_dma2 semaphore(%run_scoped3A : memref<!tpu.dma_semaphore, #tpu.memory_space<semaphore_mem>>) src(%arg6 : memref<512xi32, #tpu.memory_space<vmem>>) dst(%dma_wait3A_103 : memref<512xi32, #tpu.memory_space<vmem_shared>>)
      tpu.yield
    }) : () -> ()
    %barrier3A = arith.constant 0 : index
    tpu.barrier barrier_id(%barrier3A)
    "tpu.region"() ({
      %run_scoped3A = tpu.sem_alloc : memref<!tpu.dma_semaphore, #tpu.memory_space<semaphore_mem>>
      tpu.enqueue_dma source(%arg8 : memref<16x512xi32, #tpu.memory_space<vmem_shared>>) target(%arg7 : memref<16x512xi32, #tpu.memory_space<vmem>>) target_semaphore(%run_scoped3A : memref<!tpu.dma_semaphore, #tpu.memory_space<semaphore_mem>>)
      tpu.wait_dma2 semaphore(%run_scoped3A : memref<!tpu.dma_semaphore, #tpu.memory_space<semaphore_mem>>) src(%arg8 : memref<16x512xi32, #tpu.memory_space<vmem_shared>>) dst(%arg7 : memref<16x512xi32, #tpu.memory_space<vmem>>)
      tpu.yield
    }) : () -> ()
    %add3A_68 = arith.constant 1 : i32
    %add3A_69 = arith.addi %shift_right_arithmetic3A_42, %add3A_68 : i32
    %while3A_70 = arith.constant 0 : i32
    %while3A_71 = arith.subi %add3A_69, %shift_right_arithmetic3A_40 : i32
    %while3A_72 = arith.addi %shift_right_arithmetic3A_40, %while3A_71 : i32
    %while3A_73 = arith.constant 1 : i32
    %while3A_74 = arith.divsi %while3A_71, %while3A_73 : i32
    %while3A_75 = arith.muli %while3A_74, %while3A_73 : i32
    %while3A_76 = arith.addi %shift_right_arithmetic3A_40, %while3A_75 : i32
    %while3A_77 = arith.constant 1 : i32
    %while3A_78 = scf.for %while3A_92 = %shift_right_arithmetic3A_40 to %while3A_76 step %while3A_77 iter_args(%while3A_93 = %while3A_70) -> (i32)  : i32 {
      %mul3A_94 = arith.constant 16 : i32
      %mul3A_95 = arith.muli %while3A_92, %mul3A_94 : i32
      %get3A_96 = arith.constant 0 : i32
      %get3A_97 = arith.index_cast %get3A_96 : i32 to index
      %get3A_98 = arith.index_cast %mul3A_95 : i32 to index
      %get3A_99 = tpu.vector_load %arg7[%get3A_97, %get3A_98] {strides = array<i32>} : memref<16x512xi32, #tpu.memory_space<vmem>>, vector<16xi32>,
      %get3A_100 = arith.constant 1 : i32
      %get3A_101 = arith.index_cast %get3A_100 : i32 to index
      %get3A_102 = arith.index_cast %mul3A_95 : i32 to index
      %get3A_103 = tpu.vector_load %arg7[%get3A_101, %get3A_102] {strides = array<i32>} : memref<16x512xi32, #tpu.memory_space<vmem>>, vector<16xi32>,
      %add3A_104 = arith.addi %get3A_99, %get3A_103 : vector<16xi32>
      %get3A_105 = arith.constant 2 : i32
      %get3A_106 = arith.index_cast %get3A_105 : i32 to index
      %get3A_107 = arith.index_cast %mul3A_95 : i32 to index
      %get3A_108 = tpu.vector_load %arg7[%get3A_106, %get3A_107] {strides = array<i32>} : memref<16x512xi32, #tpu.memory_space<vmem>>, vector<16xi32>,
      %add3A_109 = arith.addi %add3A_104, %get3A_108 : vector<16xi32>
      %get3A_110 = arith.constant 3 : i32
      %get3A_111 = arith.index_cast %get3A_110 : i32 to index
      %get3A_112 = arith.index_cast %mul3A_95 : i32 to index
      %get3A_113 = tpu.vector_load %arg7[%get3A_111, %get3A_112] {strides = array<i32>} : memref<16x512xi32, #tpu.memory_space<vmem>>, vector<16xi32>,
      %add3A_114 = arith.addi %add3A_109, %get3A_113 : vector<16xi32>
      %get3A_115 = arith.constant 4 : i32
      %get3A_116 = arith.index_cast %get3A_115 : i32 to index
      %get3A_117 = arith.index_cast %mul3A_95 : i32 to index
      %get3A_118 = tpu.vector_load %arg7[%get3A_116, %get3A_117] {strides = array<i32>} : memref<16x512xi32, #tpu.memory_space<vmem>>, vector<16xi32>,
      %add3A_119 = arith.addi %add3A_114, %get3A_118 : vector<16xi32>
      %get3A_120 = arith.constant 5 : i32
      %get3A_121 = arith.index_cast %get3A_120 : i32 to index
      %get3A_122 = arith.index_cast %mul3A_95 : i32 to index
      %get3A_123 = tpu.vector_load %arg7[%get3A_121, %get3A_122] {strides = array<i32>} : memref<16x512xi32, #tpu.memory_space<vmem>>, vector<16xi32>,
      %add3A_124 = arith.addi %add3A_119, %get3A_123 : vector<16xi32>
      %get3A_125 = arith.constant 6 : i32
      %get3A_126 = arith.index_cast %get3A_125 : i32 to index
      %get3A_127 = arith.index_cast %mul3A_95 : i32 to index
      %get3A_128 = tpu.vector_load %arg7[%get3A_126, %get3A_127] {strides = array<i32>} : memref<16x512xi32, #tpu.memory_space<vmem>>, vector<16xi32>,
      %add3A_129 = arith.addi %add3A_124, %get3A_128 : vector<16xi32>
      %get3A_130 = arith.constant 7 : i32
      %get3A_131 = arith.index_cast %get3A_130 : i32 to index
      %get3A_132 = arith.index_cast %mul3A_95 : i32 to index
      %get3A_133 = tpu.vector_load %arg7[%get3A_131, %get3A_132] {strides = array<i32>} : memref<16x512xi32, #tpu.memory_space<vmem>>, vector<16xi32>,
      %add3A_134 = arith.addi %add3A_129, %get3A_133 : vector<16xi32>
      %get3A_135 = arith.constant 8 : i32
      %get3A_136 = arith.index_cast %get3A_135 : i32 to index
      %get3A_137 = arith.index_cast %mul3A_95 : i32 to index
      %get3A_138 = tpu.vector_load %arg7[%get3A_136, %get3A_137] {strides = array<i32>} : memref<16x512xi32, #tpu.memory_space<vmem>>, vector<16xi32>,
      %add3A_139 = arith.addi %add3A_134, %get3A_138 : vector<16xi32>
      %get3A_140 = arith.constant 9 : i32
      %get3A_141 = arith.index_cast %get3A_140 : i32 to index
      %get3A_142 = arith.index_cast %mul3A_95 : i32 to index
      %get3A_143 = tpu.vector_load %arg7[%get3A_141, %get3A_142] {strides = array<i32>} : memref<16x512xi32, #tpu.memory_space<vmem>>, vector<16xi32>,
      %add3A_144 = arith.addi %add3A_139, %get3A_143 : vector<16xi32>
      %get3A_145 = arith.constant 10 : i32
      %get3A_146 = arith.index_cast %get3A_145 : i32 to index
      %get3A_147 = arith.index_cast %mul3A_95 : i32 to index
      %get3A_148 = tpu.vector_load %arg7[%get3A_146, %get3A_147] {strides = array<i32>} : memref<16x512xi32, #tpu.memory_space<vmem>>, vector<16xi32>,
      %add3A_149 = arith.addi %add3A_144, %get3A_148 : vector<16xi32>
      %get3A_150 = arith.constant 11 : i32
      %get3A_151 = arith.index_cast %get3A_150 : i32 to index
      %get3A_152 = arith.index_cast %mul3A_95 : i32 to index
      %get3A_153 = tpu.vector_load %arg7[%get3A_151, %get3A_152] {strides = array<i32>} : memref<16x512xi32, #tpu.memory_space<vmem>>, vector<16xi32>,
      %add3A_154 = arith.addi %add3A_149, %get3A_153 : vector<16xi32>
      %get3A_155 = arith.constant 12 : i32
      %get3A_156 = arith.index_cast %get3A_155 : i32 to index
      %get3A_157 = arith.index_cast %mul3A_95 : i32 to index
      %get3A_158 = tpu.vector_load %arg7[%get3A_156, %get3A_157] {strides = array<i32>} : memref<16x512xi32, #tpu.memory_space<vmem>>, vector<16xi32>,
      %add3A_159 = arith.addi %add3A_154, %get3A_158 : vector<16xi32>
      %get3A_160 = arith.constant 13 : i32
      %get3A_161 = arith.index_cast %get3A_160 : i32 to index
      %get3A_162 = arith.index_cast %mul3A_95 : i32 to index
      %get3A_163 = tpu.vector_load %arg7[%get3A_161, %get3A_162] {strides = array<i32>} : memref<16x512xi32, #tpu.memory_space<vmem>>, vector<16xi32>,
      %add3A_164 = arith.addi %add3A_159, %get3A_163 : vector<16xi32>
      %get3A_165 = arith.constant 14 : i32
      %get3A_166 = arith.index_cast %get3A_165 : i32 to index
      %get3A_167 = arith.index_cast %mul3A_95 : i32 to index
      %get3A_168 = tpu.vector_load %arg7[%get3A_166, %get3A_167] {strides = array<i32>} : memref<16x512xi32, #tpu.memory_space<vmem>>, vector<16xi32>,
      %add3A_169 = arith.addi %add3A_164, %get3A_168 : vector<16xi32>
      %get3A_170 = arith.constant 15 : i32
      %get3A_171 = arith.index_cast %get3A_170 : i32 to index
      %get3A_172 = arith.index_cast %mul3A_95 : i32 to index
      %get3A_173 = tpu.vector_load %arg7[%get3A_171, %get3A_172] {strides = array<i32>} : memref<16x512xi32, #tpu.memory_space<vmem>>, vector<16xi32>,
      %add3A_174 = arith.addi %add3A_169, %get3A_173 : vector<16xi32>
      %convert_element_type3A = arith.sitofp %add3A_174 : vector<16xi32> to vector<16xf32>
      %swap3A_175 = arith.index_cast %mul3A_95 : i32 to index
      %swap3A_176 = tpu.vector_load %arg9[%swap3A_175] {strides = array<i32>} : memref<512xf32, #tpu.memory_space<vmem>>, vector<16xf32>,
      tpu.vector_store %arg9[%swap3A_175], %convert_element_type3A {strides = array<i32>} : memref<512xf32, #tpu.memory_space<vmem>>, vector<16xf32>,
      %while3A_177 = arith.constant 0 : i32
      scf.yield %while3A_177 : i32
    }
    %while3A_79 = arith.constant 1 : i32
    %while3A_80 = scf.for %while3A_92 = %while3A_76 to %while3A_72 step %while3A_79 iter_args(%while3A_93 = %while3A_78) -> (i32)  : i32 {
      %mul3A_94 = arith.constant 16 : i32
      %mul3A_95 = arith.muli %while3A_92, %mul3A_94 : i32
      %get3A_96 = arith.constant 0 : i32
      %get3A_97 = arith.index_cast %get3A_96 : i32 to index
      %get3A_98 = arith.index_cast %mul3A_95 : i32 to index
      %get3A_99 = tpu.vector_load %arg7[%get3A_97, %get3A_98] {strides = array<i32>} : memref<16x512xi32, #tpu.memory_space<vmem>>, vector<16xi32>,
      %get3A_100 = arith.constant 1 : i32
      %get3A_101 = arith.index_cast %get3A_100 : i32 to index
      %get3A_102 = arith.index_cast %mul3A_95 : i32 to index
      %get3A_103 = tpu.vector_load %arg7[%get3A_101, %get3A_102] {strides = array<i32>} : memref<16x512xi32, #tpu.memory_space<vmem>>, vector<16xi32>,
      %add3A_104 = arith.addi %get3A_99, %get3A_103 : vector<16xi32>
      %get3A_105 = arith.constant 2 : i32
      %get3A_106 = arith.index_cast %get3A_105 : i32 to index
      %get3A_107 = arith.index_cast %mul3A_95 : i32 to index
      %get3A_108 = tpu.vector_load %arg7[%get3A_106, %get3A_107] {strides = array<i32>} : memref<16x512xi32, #tpu.memory_space<vmem>>, vector<16xi32>,
      %add3A_109 = arith.addi %add3A_104, %get3A_108 : vector<16xi32>
      %get3A_110 = arith.constant 3 : i32
      %get3A_111 = arith.index_cast %get3A_110 : i32 to index
      %get3A_112 = arith.index_cast %mul3A_95 : i32 to index
      %get3A_113 = tpu.vector_load %arg7[%get3A_111, %get3A_112] {strides = array<i32>} : memref<16x512xi32, #tpu.memory_space<vmem>>, vector<16xi32>,
      %add3A_114 = arith.addi %add3A_109, %get3A_113 : vector<16xi32>
      %get3A_115 = arith.constant 4 : i32
      %get3A_116 = arith.index_cast %get3A_115 : i32 to index
      %get3A_117 = arith.index_cast %mul3A_95 : i32 to index
      %get3A_118 = tpu.vector_load %arg7[%get3A_116, %get3A_117] {strides = array<i32>} : memref<16x512xi32, #tpu.memory_space<vmem>>, vector<16xi32>,
      %add3A_119 = arith.addi %add3A_114, %get3A_118 : vector<16xi32>
      %get3A_120 = arith.constant 5 : i32
      %get3A_121 = arith.index_cast %get3A_120 : i32 to index
      %get3A_122 = arith.index_cast %mul3A_95 : i32 to index
      %get3A_123 = tpu.vector_load %arg7[%get3A_121, %get3A_122] {strides = array<i32>} : memref<16x512xi32, #tpu.memory_space<vmem>>, vector<16xi32>,
      %add3A_124 = arith.addi %add3A_119, %get3A_123 : vector<16xi32>
      %get3A_125 = arith.constant 6 : i32
      %get3A_126 = arith.index_cast %get3A_125 : i32 to index
      %get3A_127 = arith.index_cast %mul3A_95 : i32 to index
      %get3A_128 = tpu.vector_load %arg7[%get3A_126, %get3A_127] {strides = array<i32>} : memref<16x512xi32, #tpu.memory_space<vmem>>, vector<16xi32>,
      %add3A_129 = arith.addi %add3A_124, %get3A_128 : vector<16xi32>
      %get3A_130 = arith.constant 7 : i32
      %get3A_131 = arith.index_cast %get3A_130 : i32 to index
      %get3A_132 = arith.index_cast %mul3A_95 : i32 to index
      %get3A_133 = tpu.vector_load %arg7[%get3A_131, %get3A_132] {strides = array<i32>} : memref<16x512xi32, #tpu.memory_space<vmem>>, vector<16xi32>,
      %add3A_134 = arith.addi %add3A_129, %get3A_133 : vector<16xi32>
      %get3A_135 = arith.constant 8 : i32
      %get3A_136 = arith.index_cast %get3A_135 : i32 to index
      %get3A_137 = arith.index_cast %mul3A_95 : i32 to index
      %get3A_138 = tpu.vector_load %arg7[%get3A_136, %get3A_137] {strides = array<i32>} : memref<16x512xi32, #tpu.memory_space<vmem>>, vector<16xi32>,
      %add3A_139 = arith.addi %add3A_134, %get3A_138 : vector<16xi32>
      %get3A_140 = arith.constant 9 : i32
      %get3A_141 = arith.index_cast %get3A_140 : i32 to index
      %get3A_142 = arith.index_cast %mul3A_95 : i32 to index
      %get3A_143 = tpu.vector_load %arg7[%get3A_141, %get3A_142] {strides = array<i32>} : memref<16x512xi32, #tpu.memory_space<vmem>>, vector<16xi32>,
      %add3A_144 = arith.addi %add3A_139, %get3A_143 : vector<16xi32>
      %get3A_145 = arith.constant 10 : i32
      %get3A_146 = arith.index_cast %get3A_145 : i32 to index
      %get3A_147 = arith.index_cast %mul3A_95 : i32 to index
      %get3A_148 = tpu.vector_load %arg7[%get3A_146, %get3A_147] {strides = array<i32>} : memref<16x512xi32, #tpu.memory_space<vmem>>, vector<16xi32>,
      %add3A_149 = arith.addi %add3A_144, %get3A_148 : vector<16xi32>
      %get3A_150 = arith.constant 11 : i32
      %get3A_151 = arith.index_cast %get3A_150 : i32 to index
      %get3A_152 = arith.index_cast %mul3A_95 : i32 to index
      %get3A_153 = tpu.vector_load %arg7[%get3A_151, %get3A_152] {strides = array<i32>} : memref<16x512xi32, #tpu.memory_space<vmem>>, vector<16xi32>,
      %add3A_154 = arith.addi %add3A_149, %get3A_153 : vector<16xi32>
      %get3A_155 = arith.constant 12 : i32
      %get3A_156 = arith.index_cast %get3A_155 : i32 to index
      %get3A_157 = arith.index_cast %mul3A_95 : i32 to index
      %get3A_158 = tpu.vector_load %arg7[%get3A_156, %get3A_157] {strides = array<i32>} : memref<16x512xi32, #tpu.memory_space<vmem>>, vector<16xi32>,
      %add3A_159 = arith.addi %add3A_154, %get3A_158 : vector<16xi32>
      %get3A_160 = arith.constant 13 : i32
      %get3A_161 = arith.index_cast %get3A_160 : i32 to index
      %get3A_162 = arith.index_cast %mul3A_95 : i32 to index
      %get3A_163 = tpu.vector_load %arg7[%get3A_161, %get3A_162] {strides = array<i32>} : memref<16x512xi32, #tpu.memory_space<vmem>>, vector<16xi32>,
      %add3A_164 = arith.addi %add3A_159, %get3A_163 : vector<16xi32>
      %get3A_165 = arith.constant 14 : i32
      %get3A_166 = arith.index_cast %get3A_165 : i32 to index
      %get3A_167 = arith.index_cast %mul3A_95 : i32 to index
      %get3A_168 = tpu.vector_load %arg7[%get3A_166, %get3A_167] {strides = array<i32>} : memref<16x512xi32, #tpu.memory_space<vmem>>, vector<16xi32>,
      %add3A_169 = arith.addi %add3A_164, %get3A_168 : vector<16xi32>
      %get3A_170 = arith.constant 15 : i32
      %get3A_171 = arith.index_cast %get3A_170 : i32 to index
      %get3A_172 = arith.index_cast %mul3A_95 : i32 to index
      %get3A_173 = tpu.vector_load %arg7[%get3A_171, %get3A_172] {strides = array<i32>} : memref<16x512xi32, #tpu.memory_space<vmem>>, vector<16xi32>,
      %add3A_174 = arith.addi %add3A_169, %get3A_173 : vector<16xi32>
      %convert_element_type3A = arith.sitofp %add3A_174 : vector<16xi32> to vector<16xf32>
      %swap3A_175 = arith.index_cast %mul3A_95 : i32 to index
      %swap3A_176 = tpu.vector_load %arg9[%swap3A_175] {strides = array<i32>} : memref<512xf32, #tpu.memory_space<vmem>>, vector<16xf32>,
      tpu.vector_store %arg9[%swap3A_175], %convert_element_type3A {strides = array<i32>} : memref<512xf32, #tpu.memory_space<vmem>>, vector<16xf32>,
      %while3A_177 = arith.constant 0 : i32
      scf.yield %while3A_177 : i32
    }
    %mul3A_81 = arith.constant 10000 : i32
    %mul3A_82 = arith.muli %arg0, %mul3A_81 : i32
    %scan3A_83 = arith.constant 0 : i32
    %scan3A_84 = arith.constant 0 : i32
    %scan3A_85 = arith.constant 125 : i32
    %scan3A_86 = arith.addi %scan3A_84, %scan3A_85 : i32
    %scan3A_87 = arith.constant 1 : i32
    %scan3A_88 = scf.for %scan3A_92 = %scan3A_84 to %scan3A_86 step %scan3A_87 iter_args(%scan3A_93 = %scan3A_83) -> (i32)  : i32 {
      %mul3A_94 = arith.constant 5 : i32
      %mul3A_95 = arith.muli %mul3A_94, %scan3A_92 : i32
      %add3A_96 = arith.constant 0 : i32
      %add3A_97 = arith.addi %mul3A_95, %add3A_96 : i32
      %mul3A_98 = arith.constant 16 : i32
      %mul3A_99 = arith.muli %add3A_97, %mul3A_98 : i32
      %add3A_100 = arith.addi %mul3A_82, %mul3A_99 : i32
      %get3A_101 = arith.index_cast %add3A_100 : i32 to index
      %get3A_102 = tpu.vector_load %arg4[%get3A_101] {strides = array<i32>} : memref<20016xi32, #tpu.memory_space<vmem>>, vector<16xi32>,
      %gather3A = tpu.vector_load_idx %arg9[%get3A_102] : memref<512xf32, #tpu.memory_space<vmem>>[vector<16xi32>], vector<16xf32>,
      %swap3A_103 = arith.index_cast %mul3A_99 : i32 to index
      %swap3A_104 = tpu.vector_load %arg10[%swap3A_103] {strides = array<i32>} : memref<10000xf32, #tpu.memory_space<vmem>>, vector<16xf32>,
      tpu.vector_store %arg10[%swap3A_103], %gather3A {strides = array<i32>} : memref<10000xf32, #tpu.memory_space<vmem>>, vector<16xf32>,
      %mul3A_105 = arith.constant 5 : i32
      %mul3A_106 = arith.muli %mul3A_105, %scan3A_92 : i32
      %add3A_107 = arith.constant 1 : i32
      %add3A_108 = arith.addi %mul3A_106, %add3A_107 : i32
      %mul3A_109 = arith.constant 16 : i32
      %mul3A_110 = arith.muli %add3A_108, %mul3A_109 : i32
      %add3A_111 = arith.addi %mul3A_82, %mul3A_110 : i32
      %get3A_112 = arith.index_cast %add3A_111 : i32 to index
      %get3A_113 = tpu.vector_load %arg4[%get3A_112] {strides = array<i32>} : memref<20016xi32, #tpu.memory_space<vmem>>, vector<16xi32>,
      %gather3A_114 = tpu.vector_load_idx %arg9[%get3A_113] : memref<512xf32, #tpu.memory_space<vmem>>[vector<16xi32>], vector<16xf32>,
      %swap3A_115 = arith.index_cast %mul3A_110 : i32 to index
      %swap3A_116 = tpu.vector_load %arg10[%swap3A_115] {strides = array<i32>} : memref<10000xf32, #tpu.memory_space<vmem>>, vector<16xf32>,
      tpu.vector_store %arg10[%swap3A_115], %gather3A_114 {strides = array<i32>} : memref<10000xf32, #tpu.memory_space<vmem>>, vector<16xf32>,
      %mul3A_117 = arith.constant 5 : i32
      %mul3A_118 = arith.muli %mul3A_117, %scan3A_92 : i32
      %add3A_119 = arith.constant 2 : i32
      %add3A_120 = arith.addi %mul3A_118, %add3A_119 : i32
      %mul3A_121 = arith.constant 16 : i32
      %mul3A_122 = arith.muli %add3A_120, %mul3A_121 : i32
      %add3A_123 = arith.addi %mul3A_82, %mul3A_122 : i32
      %get3A_124 = arith.index_cast %add3A_123 : i32 to index
      %get3A_125 = tpu.vector_load %arg4[%get3A_124] {strides = array<i32>} : memref<20016xi32, #tpu.memory_space<vmem>>, vector<16xi32>,
      %gather3A_126 = tpu.vector_load_idx %arg9[%get3A_125] : memref<512xf32, #tpu.memory_space<vmem>>[vector<16xi32>], vector<16xf32>,
      %swap3A_127 = arith.index_cast %mul3A_122 : i32 to index
      %swap3A_128 = tpu.vector_load %arg10[%swap3A_127] {strides = array<i32>} : memref<10000xf32, #tpu.memory_space<vmem>>, vector<16xf32>,
      tpu.vector_store %arg10[%swap3A_127], %gather3A_126 {strides = array<i32>} : memref<10000xf32, #tpu.memory_space<vmem>>, vector<16xf32>,
      %mul3A_129 = arith.constant 5 : i32
      %mul3A_130 = arith.muli %mul3A_129, %scan3A_92 : i32
      %add3A_131 = arith.constant 3 : i32
      %add3A_132 = arith.addi %mul3A_130, %add3A_131 : i32
      %mul3A_133 = arith.constant 16 : i32
      %mul3A_134 = arith.muli %add3A_132, %mul3A_133 : i32
      %add3A_135 = arith.addi %mul3A_82, %mul3A_134 : i32
      %get3A_136 = arith.index_cast %add3A_135 : i32 to index
      %get3A_137 = tpu.vector_load %arg4[%get3A_136] {strides = array<i32>} : memref<20016xi32, #tpu.memory_space<vmem>>, vector<16xi32>,
      %gather3A_138 = tpu.vector_load_idx %arg9[%get3A_137] : memref<512xf32, #tpu.memory_space<vmem>>[vector<16xi32>], vector<16xf32>,
      %swap3A_139 = arith.index_cast %mul3A_134 : i32 to index
      %swap3A_140 = tpu.vector_load %arg10[%swap3A_139] {strides = array<i32>} : memref<10000xf32, #tpu.memory_space<vmem>>, vector<16xf32>,
      tpu.vector_store %arg10[%swap3A_139], %gather3A_138 {strides = array<i32>} : memref<10000xf32, #tpu.memory_space<vmem>>, vector<16xf32>,
      %mul3A_141 = arith.constant 5 : i32
      %mul3A_142 = arith.muli %mul3A_141, %scan3A_92 : i32
      %add3A_143 = arith.constant 4 : i32
      %add3A_144 = arith.addi %mul3A_142, %add3A_143 : i32
      %mul3A_145 = arith.constant 16 : i32
      %mul3A_146 = arith.muli %add3A_144, %mul3A_145 : i32
      %add3A_147 = arith.addi %mul3A_82, %mul3A_146 : i32
      %get3A_148 = arith.index_cast %add3A_147 : i32 to index
      %get3A_149 = tpu.vector_load %arg4[%get3A_148] {strides = array<i32>} : memref<20016xi32, #tpu.memory_space<vmem>>, vector<16xi32>,
      %gather3A_150 = tpu.vector_load_idx %arg9[%get3A_149] : memref<512xf32, #tpu.memory_space<vmem>>[vector<16xi32>], vector<16xf32>,
      %swap3A_151 = arith.index_cast %mul3A_146 : i32 to index
      %swap3A_152 = tpu.vector_load %arg10[%swap3A_151] {strides = array<i32>} : memref<10000xf32, #tpu.memory_space<vmem>>, vector<16xf32>,
      tpu.vector_store %arg10[%swap3A_151], %gather3A_150 {strides = array<i32>} : memref<10000xf32, #tpu.memory_space<vmem>>, vector<16xf32>,
      %scan3A_153 = arith.constant 0 : i32
      scf.yield %scan3A_153 : i32
    }
    %scan3A_89 = arith.constant 125 : i32
    %mul3A_90 = arith.constant 10000 : i32
    %mul3A_91 = arith.muli %add3A, %mul3A_90 : i32
    "tpu.region"() ({
      %run_scoped3A = tpu.sem_alloc : memref<!tpu.dma_semaphore, #tpu.memory_space<semaphore_mem>>
      %dma_start3A_92 = tpu.memref_slice %arg3[%mul3A_91] : memref<320000xf32, #tpu.memory_space<hbm>> -> memref<10000xf32, #tpu.memory_space<hbm>>
      %dma_start3A_93 = tpu.memref_slice %arg3[%mul3A_91] : memref<320000xf32, #tpu.memory_space<hbm>> -> memref<10000xf32, #tpu.memory_space<hbm>>
      tpu.enqueue_dma source(%arg10 : memref<10000xf32, #tpu.memory_space<vmem>>) target(%dma_start3A_93 : memref<10000xf32, #tpu.memory_space<hbm>>) target_semaphore(%run_scoped3A : memref<!tpu.dma_semaphore, #tpu.memory_space<semaphore_mem>>)
      %dma_wait3A_94 = tpu.memref_slice %arg3[%mul3A_91] : memref<320000xf32, #tpu.memory_space<hbm>> -> memref<10000xf32, #tpu.memory_space<hbm>>
      %dma_wait3A_95 = tpu.memref_slice %arg3[%mul3A_91] : memref<320000xf32, #tpu.memory_space<hbm>> -> memref<10000xf32, #tpu.memory_space<hbm>>
      tpu.wait_dma2 semaphore(%run_scoped3A : memref<!tpu.dma_semaphore, #tpu.memory_space<semaphore_mem>>) src(%arg10 : memref<10000xf32, #tpu.memory_space<vmem>>) dst(%dma_wait3A_95 : memref<10000xf32, #tpu.memory_space<hbm>>)
      tpu.yield
    }) : () -> ()
    return
  }
}

module attributes {stable_mosaic.version = 14 : i64} {
  func.func @_tc_body(%arg0: i32, %arg1: memref<16000x128xf32, #tpu.memory_space<vmem>>, %arg2: memref<320000xf32, #tpu.memory_space<vmem>>, %arg3: memref<16000x128xf32, #tpu.memory_space<vmem>>) attributes {dimension_semantics = [#tpu.dimension_semantics<arbitrary>], iteration_bounds = array<i64: 20>, scalar_prefetch = 0 : i64, scratch_operands = 0 : i64, tpu.core_type = #tpu.core_type<tc>, window_params = [{transform_indices = @transform_0, window_bounds = array<i64: 16000, 128>}, {pipeline_mode = #tpu.pipeline_mode<synchronous>, transform_indices = @transform_1, window_bounds = array<i64: 320000>}, {transform_indices = @transform_2, window_bounds = array<i64: 16000, 128>}]} {
    %mul3A = arith.constant 16000 : i32
    %mul3A_0 = arith.muli %arg0, %mul3A : i32
    %get3A = arith.index_cast %mul3A_0 : i32 to index
    %get3A_1 = vector.load %arg2[%get3A] : memref<320000xf32, #tpu.memory_space<vmem>>, vector<16000xf32>
    %rsqrt3A = math.rsqrt %get3A_1 : vector<16000xf32>
    %get3A_2 = arith.constant 0 : index
    %get3A_3 = arith.constant 0 : index
    %get3A_4 = vector.load %arg1[%get3A_2, %get3A_3] : memref<16000x128xf32, #tpu.memory_space<vmem>>, vector<16000x128xf32>
    %reshape3A = vector.shape_cast %rsqrt3A : vector<16000xf32> to vector<16000x1xf32>
    %mul3A_5 = vector.broadcast %reshape3A : vector<16000x1xf32> to vector<16000x128xf32>
    %mul3A_6 = arith.mulf %get3A_4, %mul3A_5 : vector<16000x128xf32>
    %swap3A = arith.constant 0 : index
    %swap3A_7 = arith.constant 0 : index
    %swap3A_8 = vector.load %arg3[%swap3A, %swap3A_7] : memref<16000x128xf32, #tpu.memory_space<vmem>>, vector<16000x128xf32>
    tpu.vector_store %arg3[%swap3A, %swap3A_7], %mul3A_6 {strides = array<i32>} : memref<16000x128xf32, #tpu.memory_space<vmem>>, vector<16000x128xf32>,
    return
  }
  func.func @transform_0(%arg0: i32) -> (i32, i32) {
    %c0_i32 = arith.constant 0 : i32
    %c0_i32_0 = arith.constant 0 : i32
    return %arg0, %c0_i32 : i32, i32
  }
  func.func @transform_1(%arg0: i32) -> i32 {
    %c0_i32 = arith.constant 0 : i32
    %c0_i32_0 = arith.constant 0 : i32
    return %c0_i32 : i32
  }
  func.func @transform_2(%arg0: i32) -> (i32, i32) {
    %c0_i32 = arith.constant 0 : i32
    %c0_i32_0 = arith.constant 0 : i32
    return %arg0, %c0_i32 : i32, i32
  }
}

</mosaic_0001>

<sc_bundles>
// kernel: kernel.4.cloned.1.call-start
scs
__scs_entry_jumppad:
0x0: {  	(pc) =	sbr.rel $0x88, $3  }
0x1: {  	(tag) =	ssettag $0x0;
	lr =	simm.s32 $0x1  }
0x2: {  	[smem:$0x3F9F] =	sst lr;
	_ =	strace $0xD0000000  }
0x3: {  	_ = 	snop  }
0x4: {  	_ = 	snop  }
0x5: {  	_ = 	snop  }
0x6: {  	_ = 	snop  }
0x7: {  	_ = 	snop  }
__scs_overlays_trampoline_lowered:
0x8: {  	[smem:$0x3FAE] =	sst s0  }
0x9: {  	[smem:$0x3FAF] =	sst s1  }
0xa: {  	[smem:$0x3FB0] =	sst s2  }
0xb: {  	[smem:$0x3FB1] =	sst s3  }
0xc: {  	[smem:$0x3FB2] =	sst s4  }
0xd: {  	[smem:$0x3FB3] =	sst s5  }
0xe: {  	[smem:$0x3FB4] =	sst s6  }
0xf: {  	[smem:$0x3FB5] =	sst s7  }
0x10: {  	[smem:$0x3FB6] =	sst s8  }
0x11: {  	[smem:$0x3FB7] =	sst s9;
	s0 =	simm.s32 @!p0 $0x0  }
0x12: {  	s1 =	sld [smem:$0x3F9D];
	s0 =	simm.s32 @p0 $0x1  }
0x13: {  	[smem:$0x3FB8] =	sst s0;
	s0 =	simm.s32 @!p1 $0x0  }
0x14: {  	s2 =	sld [smem:$0x3F9C];
	s0 =	simm.s32 @p1 $0x1  }
0x15: {  	[smem:$0x3FB9] =	sst s0;
	s0 =	simm.s32 @!p2 $0x0  }
0x16: {  	s3 =	sld [smem:$0x3FDB];
	s0 =	simm.s32 @p2 $0x1  }
0x17: {  	s4 =	simm.s32 $0x1BF5;
	[smem:$0x3FBB] =	sst s0  }
0x18: {  	s0 =	sld [smem:$0x3F9E];
	_ =	swait.ge [sflag:s4], $0x0  }
0x19: {  	s7 =	sld [smem:$0x3F9F]  }
0x1a: {  	s8 =	sadd.s32 $0xFFFFE003, lr  }
0x1b: {  	s9 =	sadd.s32 $0xFFFFFEF7, lr;
	s5 =	simm.s32 $0xFFFFFFFF;
	p2 =	slt.u32 s8, $0xFFFFF086  }
0x1c: {  	p1 =	slt.u32 s9, $0xF7A;
	s5 =	simm.s32 @!p2 $0x0  }
0x1d: {  	s5 =	simm.s32 @p1 $0x1;
	p0 =	seq.s32 s7, s2  }
0x1e: {  	s7 =	smul.u32 @!p0 $0xF7A, s2;
	p2 =	seq.s32 @!p0 s5, $0x0  }
0x1f: {  	s9 =	smul.u32 $0xF7A, s1;
	s8 =	simm.s32 @!p0 $0x1BF5;
	p2 =	por !p2, p0  }
0x20: {  	[sflag:s8] =	ssyncset.s32 @!p0 $0xFFFFF086;
	s6 =	sadd.s32 @!p0 s3, s7;
	s7 =	simm.s32 @!p0 $0x108  }
0x21: {  	s3 =	sadd.s32 s3, s9;
	s6 =	sadd.s32 @!p0 $0x88, s6;
	s7 =	simm.s32 @p2 $0x1082  }
0x22: {  	[simem:s7], [sflag:s8] =	dma.local @!p0 [hbm:s6], $0xF7A  }
0x23: {  	s9 =	sor.u32 $0xD0000000, s2;
	s6 =	simm.s32 $0x108;
	_ =	swait.ge @!p0 [sflag:s8], $0x0  }
0x24: {  	s3 =	sadd.s32 $0x88, s3;
	s6 =	simm.s32 @!p1 $0x1082;
	[sflag:s4] =	ssyncset.s32 $0xFFFFF086  }
0x25: {  	[simem:s6], [sflag:s4] =	dma.local [hbm:s3], $0xF7A  }
0x26: {  	[smem:$0x3F9F] =	sst s1;
	(tag) =	ssettag s2;
	_ =	strace s9  }
0x27: {  	s1 =	sld [smem:$0x3FAF]  }
0x28: {  	s2 =	sld [smem:$0x3FB0]  }
0x29: {  	s4 =	sld [smem:$0x3FB2]  }
0x2a: {  	p0 =	seq.s32 s5, $0x0;
	s5 =	sld [smem:$0x3FB3]  }
0x2b: {  	s6 =	sld [smem:$0x3FB4]  }
0x2c: {  	s7 =	sld [smem:$0x3FB5]  }
0x2d: {  	s3 =	simm.s32 $0x108;
	s8 =	sld [smem:$0x3FB6]  }
0x2e: {  	s3 =	simm.s32 @!p0 $0x1082;
	s9 =	sld [smem:$0x3FB7]  }
0x2f: {  	lr =	sadd.s32 s0, s3;
	s0 =	sld [smem:$0x3FAE]  }
0x30: {  	s3 =	sld [smem:$0x3FB1]  }
0x31: {  	[smem:$0x3FBA] =	sst s10  }
0x32: {  	s10 =	sld [smem:$0x3FB8];
	_ =	sdelay $0x3  }
0x33: {  	p0 =	seq.s32 s10, $0x1;
	s10 =	sld [smem:$0x3FBA];
	_ =	sdelay $0x3  }
0x34: {  	[smem:$0x3FBA] =	sst s10  }
0x35: {  	s10 =	sld [smem:$0x3FB9];
	_ =	sdelay $0x3  }
0x36: {  	p1 =	seq.s32 s10, $0x1;
	s10 =	sld [smem:$0x3FBA];
	_ =	sdelay $0x3  }
0x37: {  	[smem:$0x3FBA] =	sst s10  }
0x38: {  	s10 =	sld [smem:$0x3FBB]  }
0x39: {  	_ = 	snop;
	(pc) =	sbr.ind lr, $3  }
0x3a: {  	_ = 	snop  }
0x3b: {  	_ = 	snop  }
0x3c: {  	p2 =	seq.s32 s10, $0x1;
	s10 =	sld [smem:$0x3FBA]  }
0x3d: {  	_ =	shalt  }
0x3e: {  	_ =	shalt  }
0x3f: {  	_ =	shalt  }
0x40: {  	_ =	shalt  }
0x41: {  	_ =	shalt  }
0x42: {  	_ =	shalt  }
0x43: {  	_ =	shalt  }
0x44: {  	_ =	shalt  }
0x45: {  	_ =	shalt  }
0x46: {  	_ =	shalt  }
0x47: {  	_ =	shalt  }
0x48: {  	_ =	shalt  }
0x49: {  	_ =	shalt  }
0x4a: {  	_ =	shalt  }
0x4b: {  	_ =	shalt  }
0x4c: {  	_ =	shalt  }
0x4d: {  	_ =	shalt  }
0x4e: {  	_ =	shalt  }
0x4f: {  	_ =	shalt  }
0x50: {  	_ =	shalt  }
0x51: {  	_ =	shalt  }
0x52: {  	_ =	shalt  }
0x53: {  	_ =	shalt  }
0x54: {  	_ =	shalt  }
0x55: {  	_ =	shalt  }
0x56: {  	_ =	shalt  }
0x57: {  	_ =	shalt  }
0x58: {  	_ =	shalt  }
0x59: {  	_ =	shalt  }
0x5a: {  	_ =	shalt  }
0x5b: {  	_ =	shalt  }
0x5c: {  	_ =	shalt  }
0x5d: {  	_ =	shalt  }
0x5e: {  	_ =	shalt  }
0x5f: {  	_ =	shalt  }
0x60: {  	_ =	shalt  }
0x61: {  	_ =	shalt  }
0x62: {  	_ =	shalt  }
0x63: {  	_ =	shalt  }
0x64: {  	_ =	shalt  }
0x65: {  	_ =	shalt  }
0x66: {  	_ =	shalt  }
0x67: {  	_ =	shalt  }
0x68: {  	_ =	shalt  }
0x69: {  	_ =	shalt  }
0x6a: {  	_ =	shalt  }
0x6b: {  	_ =	shalt  }
0x6c: {  	_ =	shalt  }
0x6d: {  	_ =	shalt  }
0x6e: {  	_ =	shalt  }
0x6f: {  	_ =	shalt  }
0x70: {  	_ =	shalt  }
0x71: {  	_ =	shalt  }
0x72: {  	_ =	shalt  }
0x73: {  	_ =	shalt  }
0x74: {  	_ =	shalt  }
0x75: {  	_ =	shalt  }
0x76: {  	_ =	shalt  }
0x77: {  	_ =	shalt  }
0x78: {  	_ =	shalt  }
0x79: {  	_ =	shalt  }
0x7a: {  	_ =	shalt  }
0x7b: {  	_ =	shalt  }
0x7c: {  	_ =	shalt  }
0x7d: {  	_ =	shalt  }
0x7e: {  	_ =	shalt  }
0x7f: {  	_ =	shalt  }
0x80: {  	_ =	shalt  }
0x81: {  	_ =	shalt  }
0x82: {  	_ =	shalt  }
0x83: {  	_ =	shalt  }
0x84: {  	_ =	shalt  }
0x85: {  	_ =	shalt  }
0x86: {  	_ =	shalt  }
0x87: {  	_ =	shalt  }
.Lfunc_end0:
.L_simem_size_0:
called_computation_lowered:
.L_overlay_start_0:
0x88: {  	s2 =	sld [smem:$0x3FD9]  }
0x89: {  	s3 =	sld [smem:$0x3FFE];
	_ =	sdelay $0x1  }
0x8a: {  	s1 =	srdreg.scid  }
0x8b: {  	s0 =	sand.u32 $0x1, s1  }
0x8c: {  	s18 =	sshll.u32 s0, $0xA;
	s2 =	sadd.s32 s3, s2  }
0x8d: {  	s2 =	sadd.s32 s2, s18  }
0x8e: {  	[smem:$0x3FC6] =	sst s2  }
0x8f: {  	_ = 	snop  }
0x90: {  	s2 =	sld [smem:$0x3FC8]  }
0x91: {  	s19 =	sld [smem:$0x3FD0];
	(tm) =	ssettm $0x1  }
0x92: {  	s4 =	sld [smem:$0x3FFB];
	_ =	sdelay $0x3  }
0x93: {  	_ =	strace s4  }
0x94: {  	s4 =	sld [smem:$0x3FFC];
	_ =	sdelay $0x3  }
0x95: {  	_ =	strace s4  }
0x96: {  	s4 =	sld [smem:$0x3FFD];
	_ =	sdelay $0x3  }
0x97: {  	_ =	strace s4  }
0x98: {  	_ =	strace $0x8FFFFFFF  }
0x99: {  	s20 =	sld [smem:$0x3FDB];
	_ =	sdelay $0x1  }
0x9a: {  	s5 =	simm.s32 $_scs_section_size  }
0x9b: {  	s6 =	simm.s32 $_size__tile_overlayer_lowered;
	s7 =	simm.s32 $_tile_overlayer_lowered  }
0x9c: {  	s23 =	simm.s32 $0x1BFF;
	s22 =	sshll.u32 s7, $0x1;
	s4 =	sadd.s32 s5, s20  }
0x9d: {  	s8 =	simm.s32 $0x0;
	s21 =	sshll.u32 s6, $0x1;
	s6 =	sadd.s32 s22, s4  }
0x9e: {  	[timem:s8], [sflag:s23] =	dma.local [hbm:s6], s21  }
0x9f: {  	_ =	swait.ge [sflag:s23], s21  }
0xa0: {  	s5 =	ssub.s32 $0x0, s21;
	[sflag:s23] =	ssyncset.done $0x0  }
0xa1: {  	[sflag:s23] =	ssyncadd.s32 s5;
	_ =	sdelay $0x1  }
0xa2: {  	s24 =	simm.s32 $0x1B8B  }
0xa3: {  	_ =	swait.ge [sflag:s24], $0x1  }
0xa4: {  	[sflag:s24] =	ssyncset.done $0x0  }
0xa5: {  	s25 =	simm.s32 $0x1B8E;
	[sflag:s24] =	ssyncadd.s32 $0xFFFFFFFF  }
0xa6: {  	s26 =	simm.s32 $execute0_lowered;
	[smem:$0x3FD2] =	sst s25  }
0xa7: {  	s5 =	sshll.u32 s26, $0x1;
	_ =	strace $0x80000046;
	[dreg:$0x1] =	wrdreg $0xFFFFFFFF  }
0xa8: {  	s28 =	simm.s32 $_size_execute0_lowered;
	s4 =	sadd.s32 s4, s5;
	[dreg:$0x0] =	wrdreg $0x0  }
0xa9: {  	s5 =	sshll.u32 s28, $0x1;
	[dreg:$0x2] =	wrdreg s4  }
0xaa: {  	[dreg:$0x3] =	wrdreg s5  }
0xab: {  	[dreg:$0x4] =	wrdreg $0xC0  }
0xac: {  	_ =	task [dreg:s8], $0x5FFFF  }
0xad: {  	[dreg:$0x1] =	wrdreg $0xFFFFFFFF  }
0xae: {  	[dreg:$0x0] =	wrdreg $0x60  }
0xaf: {  	[dreg:$0x2] =	wrdreg s2  }
0xb0: {  	[dreg:$0x3] =	wrdreg s19  }
0xb1: {  	[dreg:$0x4] =	wrdreg $0x73000  }
0xb2: {  	[dreg:$0x5] =	wrdreg $0x9  }
0xb3: {  	_ =	task.clear_ibuf [dreg:s8], $0x6FFFF;
	_ =	strace $0x90000046  }
0xb4: {  	s29 =	simm.s32 $0x9;
	_ =	strace $0x80000048  }
0xb5: {  	_ =	swait.ge [sflag:s29], $0x1  }
0xb6: {  	[sflag:s29] =	ssyncadd.s32 $0xFFFFFFFF  }
0xb7: {  	_ =	strace $0x90000048  }
0xb8: {  	_ =	sfence  }
0xb9: {  	s30 =	sld [smem:$0x0];
	_ =	sdelay $0x2  }
0xba: {  	s31 =	sshll.u32 s1, $0xD;
	s1 =	sshrl.u32 s1, $0x2  }
0xbb: {  	s3 =	sand.u32 $0x4000, s31;
	s1 =	sadd.s32 s1, s30  }
0xbc: {  	s0 =	sor.u32 s3, s0;
	s1 =	sshll.u32 s1, $0x11  }
0xbd: {  	s0 =	sor.u32 s1, s0  }
0xbe: {  	s0 =	sadd.s32 $0x8F2B, s0  }
0xbf: {  	[sflag:s0] =	ssyncadd.remote.s32 $0x1  }
0xc0: {  	_ =	sfence.sel $0xFFFF  }
0xc1: {  	[dreg:$0x0] =	wrdreg $0xFFFFFFFF;
	(pc) =	sbr.abs _section_cstart, $3  }
0xc2: {  	[dreg:$0x1] =	wrdreg $0xFFFFFFFF  }
0xc3: {  	_ =	task.clear_ibuf [dreg:s8], $0x2FFFF;
	_ =	strace $0x9FFFFFFF  }
0xc4: {  	(tm) =	ssettm $0x7FFFFFFF  }
0xc5: {  	_ =	shalt  }
tec
execute0_lowered:
.L_overlay_start_1:
0x0: {  	(tag) =	ssettag $0x1  }
0x1: {  	s4 =	rddreg [dreg:$0x0]  }
0x2: {  	s6 =	rddreg [dreg:$0x1]  }
0x3: {  	s1 =	rddreg [dreg:$0x2]  }
0x4: {  	s3 =	srdreg.scid;
	s0 =	rddreg [dreg:$0x3];
	s2 =	simm.s32 $0x0  }
0x5: {  	s12 =	simm.s32 $0x2;
	s13 =	simm.s32 $0x5300;
	s14 =	simm.s32 $0x7500  }
0x6: {  	s15 =	simm.s32 $0x7700;
	s16 =	simm.s32 $0x4E80;
	s5 =	sand.u32 $0x1, s3  }
0x7: {  	[smem:$0x7FF] =	sst s2;
	s3 =	stileid.u32;
	s7 =	ssub.s32 $0x2, s5  }
0x8: {  	_ =	strace $0x80000047;
	s26 =	sshll.u32 s3, $0x1;
	s11 =	smul.u32 $0x9C40, s5  }
0x9: {  	s9 =	smul.u32 $0x9C4, s3;
	s10 =	sshll.u32 s3, $0x9;
	s29 =	sshll.u32 s3, $0x7  }
0xa: {  	s8 =	sshrl.u32 s7, $0x1;
	s28 =	sand.u32 $0x1000, s10;
	s31 =	sshrl.u32 s11, $0x2  }
0xb: {  	v3 =	vimm.s32 $0x2710;
	s30 =	sand.u32 $0x380, s29;
	s10 =	simm.s32 $0x400;
	s17 =	sadd.s32 $0x40, s31  }
0xc: {  	s7 =	ssub.s32 s7, s8;
	s8 =	sor.u32 s5, s26;
	s4 =	sadd.s32 s4, s9;
	v5 =	vmov s17  }
0xd: {  	s5 =	sadd.s32 s28, s1;
	s9 =	simm.s32 $0x80;
	s8 =	smul.u32 $0x4E2, s8  }
0xe: {  	v0 =	vimm.s32 $0x7FFFFFFF;
	s11 =	simm.s32 $0x5100;
	s5 =	sadd.s32 s30, s5;
	s7 =	smax.u32 s7, $0x1  }
0xf: {  	v1 =	vimm.s32 $0x0;
	v2 =	vlaneseq.u32;
	v4 =	vimm.s32 $0x1388;
	s17 =	simm.s32 $0x0;
	s6 =	sadd.s32 s6, s8;
	s8 =	simm.s32 $0x1  }
.LBB2_1:
0x10: {  	[tilespmem:s2], [sflag:$0x1] =	stream.linear.gather [hbm4b:s4+s2], $0x4E20, $0x38;
	[tilespmem:$0x9E80] =	vst v63  }
0x11: {  	[tilespmem:$0x4E20] =	vst v0  }
0x12: {  	[tilespmem:$0x5100] =	vst v1  }
0x13: {  	[tilespmem:$0x5110] =	vst v1  }
0x14: {  	[tilespmem:$0x5120] =	vst v1  }
0x15: {  	[tilespmem:$0x5130] =	vst v1  }
0x16: {  	[tilespmem:$0x5140] =	vst v1  }
0x17: {  	[tilespmem:$0x5150] =	vst v1  }
0x18: {  	[tilespmem:$0x5160] =	vst v1  }
0x19: {  	[tilespmem:$0x5170] =	vst v1  }
0x1a: {  	[tilespmem:$0x5180] =	vst v1  }
0x1b: {  	[tilespmem:$0x5190] =	vst v1  }
0x1c: {  	[tilespmem:$0x51A0] =	vst v1  }
0x1d: {  	[tilespmem:$0x51B0] =	vst v1  }
0x1e: {  	[tilespmem:$0x51C0] =	vst v1  }
0x1f: {  	[tilespmem:$0x51D0] =	vst v1  }
0x20: {  	[tilespmem:$0x51E0] =	vst v1  }
0x21: {  	[tilespmem:$0x51F0] =	vst v1  }
0x22: {  	[tilespmem:$0x5200] =	vst v1  }
0x23: {  	[tilespmem:$0x5210] =	vst v1  }
0x24: {  	[tilespmem:$0x5220] =	vst v1  }
0x25: {  	[tilespmem:$0x5230] =	vst v1  }
0x26: {  	[tilespmem:$0x5240] =	vst v1  }
0x27: {  	[tilespmem:$0x5250] =	vst v1  }
0x28: {  	[tilespmem:$0x5260] =	vst v1  }
0x29: {  	[tilespmem:$0x5270] =	vst v1  }
0x2a: {  	[tilespmem:$0x5280] =	vst v1  }
0x2b: {  	[tilespmem:$0x5290] =	vst v1  }
0x2c: {  	[tilespmem:$0x52A0] =	vst v1  }
0x2d: {  	[tilespmem:$0x52B0] =	vst v1  }
0x2e: {  	[tilespmem:$0x52C0] =	vst v1  }
0x2f: {  	[tilespmem:$0x52D0] =	vst v1  }
0x30: {  	[tilespmem:$0x52E0] =	vst v1  }
0x31: {  	[tilespmem:$0x52F0] =	vst v1  }
0x32: {  	_ =	swait.ge [sflag:s8], $0x4E20  }
0x33: {  	[sflag:s8] =	ssyncset.done $0x0  }
0x34: {  	[sflag:s8] =	ssyncadd.s32 $0xFFFFB1E0  }
0x35: {  	v6 =	vld [tilespmem:$0x0]  }
0x36: {  	v7 =	vld [tilespmem:$0x4E10];
	_ =	sdelay $0x3  }
0x37: {  	v6 =	vxor.u32 $0x80000000, v6  }
0x38: {  	(xrf0) =	vmin.scan.msk.u32 $0xffff, v6;
	v6 =	vxor.u32 $0x80000000, v7  }
0x39: {  	(xrf0) =	vmax.scan.msk.u32 $0xffff, v6;
	_ =	sdelay $0x4  }
0x3a: {  	v6, _, _ =	vpop (xrf0)  }
0x3b: {  	(v2sf) =	vpush v6, $0xF;
	v6, _, _ =	vpop (xrf0)  }
0x3c: {  	(v2sf) =	vpush v6, $0xF;
	_ =	sdelay $0xd  }
0x3d: {  	s18 =	spop (v2sf)  }
0x3e: {  	s19 =	spop (v2sf)  }
0x3f: {  	s19 =	sshra.s32 s19, $0x4  }
0x40: {  	s18 =	sshra.s32 s18, $0x4;
	s22 =	sxor.u32 $0xF8000000, s19  }
0x41: {  	s19 =	sxor.u32 $0xF8000000, s18;
	s30 =	sadd.s32 $0x2, s22  }
0x42: {  	p0 =	sge.s32 s19, s30  }
.Ltmp0:
0x43: {  	_ = 	snop;
	(pc) =	sbr.rel @p0 .LBB2_4-.Ltmp0, $3  }
0x44: {  	_ =	sdelay $0x1  }
0x45: {  	s31 =	sshll.u32 s19, $0x6  }
0x46: {  	s21 =	ssub.s32 s22, s19;
	s18 =	sshll.u32 s19, $0x4;
	s20 =	sshra.s32 s31, $0x2  }
0x47: {  	s23 =	sadd.s32 $0x2, s21;
	s24 =	sadd.s32 $0x4E80, s20;
	s25 =	sshll.u32 s19, $0x4  }
.LBB2_3:
0x48: {  	v6 =	vld.idx.msk [tilespmem:v3+s2+$0x0], $0xffff;
	_ =	sdelay $0x3  }
0x49: {  	v7 =	vor.u32 s25, v2  }
0x4a: {  	vm0 =	vlt.s32 v6, v7  }
0x4b: {  	v6 =	vsel vm0, $0x3A98, v4;
	_ =	sdelay $0x4  }
0x4c: {  	v8 =	vld.idx.msk [tilespmem:v6+s2+$0x0], $0xffff;
	_ =	sdelay $0x4  }
0x4d: {  	v9 =	vsel vm0, $0x4E20, v3;
	vm1 =	vlt.s32 v8, v7  }
0x4e: {  	v38 =	vsel vm0, $0x2711, v1;
	v10 =	vor.u32 $0x1, v6;
	v6 =	vsel vm1, v9, v6  }
0x4f: {  	v8 =	vsel vm1, v10, v38;
	v9 =	vadd.s32 $0xFFFFFFFF, v6  }
0x50: {  	v9 =	vadd.s32 v9, v8  }
0x51: {  	v9 =	vadd.s32 $0x1, v9  }
0x52: {  	v9 =	vshrl.u32 v9, $0x1;
	_ =	sdelay $0x4  }
0x53: {  	v39 =	vld.idx.msk [tilespmem:v9+s2+$0x0], $0xffff;
	_ =	sdelay $0x4  }
0x54: {  	v40 =	vor.u32 $0x1, v9;
	vm15 =	vlt.s32 v39, v7  }
0x55: {  	v8 =	vsel vm15, v40, v8;
	v6 =	vsel vm15, v6, v9  }
0x56: {  	v9 =	vadd.s32 v6, v8  }
0x57: {  	v9 =	vshrl.u32 v9, $0x1;
	_ =	sdelay $0x4  }
0x58: {  	v41 =	vld.idx.msk [tilespmem:v9+s2+$0x0], $0xffff;
	_ =	sdelay $0x4  }
0x59: {  	v42 =	vadd.s32 $0x1, v9;
	vm4 =	vlt.s32 v41, v7  }
0x5a: {  	v8 =	vsel vm4, v42, v8;
	v6 =	vsel vm4, v6, v9  }
0x5b: {  	v9 =	vadd.s32 v6, v8  }
0x5c: {  	v9 =	vshrl.u32 v9, $0x1;
	_ =	sdelay $0x4  }
0x5d: {  	v43 =	vld.idx.msk [tilespmem:v9+s2+$0x0], $0xffff;
	_ =	sdelay $0x4  }
0x5e: {  	v44 =	vadd.s32 $0x1, v9;
	vm5 =	vlt.s32 v43, v7  }
0x5f: {  	v8 =	vsel vm5, v44, v8;
	v6 =	vsel vm5, v6, v9  }
0x60: {  	v9 =	vadd.s32 v6, v8  }
0x61: {  	v9 =	vshrl.u32 v9, $0x1;
	_ =	sdelay $0x4  }
0x62: {  	v45 =	vld.idx.msk [tilespmem:v9+s2+$0x0], $0xffff;
	_ =	sdelay $0x4  }
0x63: {  	v46 =	vadd.s32 $0x1, v9;
	vm6 =	vlt.s32 v45, v7  }
0x64: {  	v8 =	vsel vm6, v46, v8;
	v6 =	vsel vm6, v6, v9  }
0x65: {  	v9 =	vadd.s32 v6, v8  }
0x66: {  	v9 =	vshrl.u32 v9, $0x1;
	_ =	sdelay $0x4  }
0x67: {  	v47 =	vld.idx.msk [tilespmem:v9+s2+$0x0], $0xffff;
	_ =	sdelay $0x4  }
0x68: {  	v48 =	vadd.s32 $0x1, v9;
	vm7 =	vlt.s32 v47, v7  }
0x69: {  	v8 =	vsel vm7, v48, v8;
	v6 =	vsel vm7, v6, v9  }
0x6a: {  	v9 =	vadd.s32 v6, v8  }
0x6b: {  	v9 =	vshrl.u32 v9, $0x1;
	_ =	sdelay $0x4  }
0x6c: {  	v49 =	vld.idx.msk [tilespmem:v9+s2+$0x0], $0xffff;
	_ =	sdelay $0x4  }
0x6d: {  	v50 =	vadd.s32 $0x1, v9;
	vm8 =	vlt.s32 v49, v7  }
0x6e: {  	v8 =	vsel vm8, v50, v8;
	v6 =	vsel vm8, v6, v9  }
0x6f: {  	v9 =	vadd.s32 v6, v8  }
0x70: {  	v9 =	vshrl.u32 v9, $0x1;
	_ =	sdelay $0x4  }
0x71: {  	v51 =	vld.idx.msk [tilespmem:v9+s2+$0x0], $0xffff;
	_ =	sdelay $0x4  }
0x72: {  	v52 =	vadd.s32 $0x1, v9;
	vm9 =	vlt.s32 v51, v7  }
0x73: {  	v8 =	vsel vm9, v52, v8;
	v6 =	vsel vm9, v6, v9  }
0x74: {  	v9 =	vadd.s32 v6, v8  }
0x75: {  	v9 =	vshrl.u32 v9, $0x1;
	_ =	sdelay $0x4  }
0x76: {  	v53 =	vld.idx.msk [tilespmem:v9+s2+$0x0], $0xffff;
	_ =	sdelay $0x4  }
0x77: {  	v54 =	vadd.s32 $0x1, v9;
	vm10 =	vlt.s32 v53, v7  }
0x78: {  	v8 =	vsel vm10, v54, v8;
	v6 =	vsel vm10, v6, v9  }
0x79: {  	v9 =	vadd.s32 v6, v8  }
0x7a: {  	v9 =	vshrl.u32 v9, $0x1;
	_ =	sdelay $0x4  }
0x7b: {  	v55 =	vld.idx.msk [tilespmem:v9+s2+$0x0], $0xffff;
	_ =	sdelay $0x4  }
0x7c: {  	v56 =	vadd.s32 $0x1, v9;
	vm11 =	vlt.s32 v55, v7  }
0x7d: {  	v8 =	vsel vm11, v56, v8;
	v6 =	vsel vm11, v6, v9  }
0x7e: {  	v9 =	vadd.s32 v6, v8  }
0x7f: {  	v9 =	vshrl.u32 v9, $0x1;
	_ =	sdelay $0x4  }
0x80: {  	v57 =	vld.idx.msk [tilespmem:v9+s2+$0x0], $0xffff;
	_ =	sdelay $0x4  }
0x81: {  	v58 =	vadd.s32 $0x1, v9;
	vm12 =	vlt.s32 v57, v7  }
0x82: {  	v8 =	vsel vm12, v58, v8;
	v6 =	vsel vm12, v6, v9  }
0x83: {  	v9 =	vadd.s32 v6, v8  }
0x84: {  	v9 =	vshrl.u32 v9, $0x1;
	_ =	sdelay $0x4  }
0x85: {  	v59 =	vld.idx.msk [tilespmem:v9+s2+$0x0], $0xffff;
	_ =	sdelay $0x4  }
0x86: {  	v60 =	vadd.s32 $0x1, v9;
	vm13 =	vlt.s32 v59, v7  }
0x87: {  	v8 =	vsel vm13, v60, v8;
	v6 =	vsel vm13, v6, v9  }
0x88: {  	v9 =	vadd.s32 v6, v8  }
0x89: {  	v9 =	vshrl.u32 v9, $0x1;
	_ =	sdelay $0x4  }
0x8a: {  	v61 =	vld.idx.msk [tilespmem:v9+s2+$0x0], $0xffff;
	_ =	sdelay $0x4  }
0x8b: {  	v62 =	vadd.s32 $0x1, v9;
	vm14 =	vlt.s32 v61, v7  }
0x8c: {  	v8 =	vsel vm14, v62, v8;
	v6 =	vsel vm14, v6, v9  }
0x8d: {  	v6 =	vadd.s32 v6, v8  }
0x8e: {  	v6 =	vshrl.u32 v6, $0x1;
	_ =	sdelay $0x4  }
0x8f: {  	v63 =	vld.idx.msk [tilespmem:v6+s2+$0x0], $0xffff;
	_ =	sdelay $0x1  }
0x90: {  	p0 =	seq.s32 s23, $0x1  }
.Ltmp1:
0x91: {  	_ = 	snop;
	(pc) =	sbr.rel @!p0 .LBB2_3-.Ltmp1, $4  }
0x92: {  	_ = 	snop  }
0x93: {  	v6 =	vadd.s32 $0x1, v6;
	vm15 =	vlt.s32 v63, v7  }
0x94: {  	v6 =	vsel vm15, v6, v8  }
0x95: {  	s25 =	sadd.s32 $0x10, s25;
	s23 =	sadd.s32 $0xFFFFFFFF, s23;
	[tilespmem:s24+$0x0] =	vst v6;
	s24 =	sadd.s32 $0x10, s24  }
.LBB2_4:
0x96: {  	p0 =	sgt.s32 s19, s22  }
.Ltmp2:
0x97: {  	_ = 	snop;
	(pc) =	sbr.rel @p0 .LBB2_13-.Ltmp2, $1  }
0x98: {  	_ =	sdelay $0x3  }
0x99: {  	s25 =	sadd.s32 $0x1, s21  }
0x9a: {  	p3 =	sne.s32 s25, $0x1  }
.Ltmp3:
0x9b: {  	_ = 	snop;
	(pc) =	sbr.rel @!p3 .LBB2_6-.Ltmp3, $3  }
0x9c: {  	_ =	sdelay $0x1  }
0x9d: {  	s24 =	sor.u32 $0x1, s18;
	s23 =	sadd.s32 $0x4E80, s20;
	s22 =	sadd.s32 $0x5100, s20  }
0x9e: {  	p1 =	por $0x0, $0x0;
	p2 =	por $0x0, $0x0;
	v6 =	vadd.s32 s24, v2;
	s26 =	sadd.s32 $0xFFFFFFFF, s25  }
0x9f: {  	p3 =	sne.s32 s26, $0x1  }
.Ltmp4:
0xa0: {  	_ = 	snop;
	(pc) =	sbr.rel @!p3 .LBB2_8-.Ltmp4, $3  }
0xa1: {  	_ =	sdelay $0x1  }
0xa2: {  	v7 =	vld.idx.msk [tilespmem:v6+s16+$0x0], $0xffff;
	s25 =	sadd.s32 $0x10, s24  }
0xa3: {  	v8 =	vld [tilespmem:s23+$0x0];
	s28 =	sadd.s32 $0xFFFFFFFF, s26;
	p1 =	por $0x1, $0x1;
	v6 =	vadd.s32 s25, v2  }
0xa4: {  	_ =	sdelay $0x3  }
0xa5: {  	p3 =	sne.s32 s28, $0x1;
	v7 =	vsub.s32 v7, v8  }
.Ltmp5:
0xa6: {  	[tilespmem:s22+$0x0] =	vst v7;
	(pc) =	sbr.rel @!p3 .LBB2_10-.Ltmp5, $4  }
0xa7: {  	s24 =	sadd.s32 $0x10, s23;
	v7 =	vld.idx.msk [tilespmem:v6+s16+$0x0], $0xffff  }
0xa8: {  	v8 =	vld [tilespmem:s24+$0x0]  }
0xa9: {  	s26 =	sadd.s32 $0x10, s25  }
0xaa: {  	s28 =	sadd.s32 $0xFFFFFFFF, s28;
	p2 =	por $0x1, $0x1;
	s25 =	smov.u32 s22;
	v6 =	vadd.s32 s26, v2  }
.LBB2_11:
0xab: {  	p3 =	sne.s32 s28, $0x1;
	_ =	sdelay $0x1  }
0xac: {  	s25 =	sadd.s32 $0x10, s25;
	v7 =	vsub.s32 v7, v8  }
.Ltmp6:
0xad: {  	[tilespmem:s25+$0x0] =	vst v7;
	(pc) =	sbr.rel @p3 .LBB2_11-.Ltmp6, $4  }
0xae: {  	s24 =	sadd.s32 $0x10, s24;
	v7 =	vld.idx.msk [tilespmem:v6+s16+$0x0], $0xffff  }
0xaf: {  	v8 =	vld [tilespmem:s24+$0x0]  }
0xb0: {  	s26 =	sadd.s32 $0x10, s26  }
0xb1: {  	s28 =	sadd.s32 $0xFFFFFFFF, s28;
	v6 =	vadd.s32 s26, v2  }
.LBB2_12:
0xb2: {  	_ = 	snop  }
0xb3: {  	s25 =	sadd.s32 @p2 $0x10, s25;
	s26 =	smov.u32 s22  }
0xb4: {  	s26 =	smov.u32 @p2 s25;
	v7 =	vsub.s32 @p1 v7, v8  }
0xb5: {  	s24 =	sadd.s32 @p1 $0x10, s24;
	[tilespmem:s26+$0x0] =	vst @p1 v7  }
0xb6: {  	s23 =	smov.u32 @p1 s24;
	v6 =	vld.idx.msk [tilespmem:v6+s16+$0x0], $0xffff  }
0xb7: {  	v7 =	vld [tilespmem:s23+$0x0];
	_ =	sdelay $0x3  }
0xb8: {  	s23 =	sadd.s32 @p1 $0x10, s26  }
0xb9: {  	s22 =	smov.u32 @p1 s23;
	v6 =	vsub.s32 v6, v7  }
0xba: {  	[tilespmem:s22+$0x0] =	vst v6  }
.LBB2_13:
0xbb: {  	[spmem:s5] =	stream.strided.scatter [tilespmem:s11], [sflag:$0x2], $0x200, s10, s9, $0x38;
	[tilespmem:$0x9E80] =	vst v63  }
0xbc: {  	_ =	swait.ge [sflag:s12], $0x200  }
0xbd: {  	[sflag:s12] =	ssyncset.done $0x0  }
0xbe: {  	[sflag:s12] =	ssyncadd.s32 $0xFFFFFE00  }
.Ltmp7:
0xbf: {  	[bflag:$0x0] =	sbarrier.arrive $0xFFFF;
	(pc) =	sbr.rel @p0 .LBB2_20-.Ltmp7, $4  }
0xc0: {  	[tilespmem:s13], [sflag:$0x2] =	stream.linear.gather [spmem:s1], $0x2000, $0x38;
	[tilespmem:$0x9E80] =	vst v63  }
0xc1: {  	_ =	swait.ge [sflag:s12], $0x2000  }
0xc2: {  	[sflag:s12] =	ssyncset.done $0x0  }
0xc3: {  	[sflag:s12] =	ssyncadd.s32 $0xFFFFE000  }
0xc4: {  	s22 =	sadd.s32 $0x1, s21  }
0xc5: {  	p1 =	sne.s32 s22, $0x1  }
.Ltmp8:
0xc6: {  	_ = 	snop;
	(pc) =	sbr.rel @!p1 .LBB2_15-.Ltmp8, $4  }
0xc7: {  	_ = 	snop  }
0xc8: {  	s21 =	sshll.u32 s19, $0x7  }
0xc9: {  	s19 =	sadd.s32 $0x7500, s20;
	s31 =	sand.u32 $0x70, s18;
	s23 =	sand.u32 $0xFFFFFC00, s21  }
0xca: {  	p0 =	por $0x0, $0x0;
	s20 =	sor.u32 s31, s23;
	s23 =	sadd.s32 $0xFFFFFFFF, s22  }
0xcb: {  	v6 =	vld [tilespmem:s20+$0x5380]  }
0xcc: {  	v7 =	vld [tilespmem:s20+$0x5300]  }
0xcd: {  	v8 =	vld [tilespmem:s20+$0x5400]  }
0xce: {  	v9 =	vld [tilespmem:s20+$0x5480]  }
0xcf: {  	v10 =	vld [tilespmem:s20+$0x5500]  }
0xd0: {  	v11 =	vld [tilespmem:s20+$0x5580]  }
0xd1: {  	v6 =	vadd.s32 v7, v6;
	v7 =	vld [tilespmem:s20+$0x5600]  }
0xd2: {  	v56 =	vld [tilespmem:s20+$0x5680];
	v6 =	vadd.s32 v8, v6  }
0xd3: {  	v57 =	vld [tilespmem:s20+$0x6300];
	v6 =	vadd.s32 v9, v6  }
0xd4: {  	v58 =	vld [tilespmem:s20+$0x6380];
	v6 =	vadd.s32 v10, v6  }
0xd5: {  	v59 =	vld [tilespmem:s20+$0x6400];
	v6 =	vadd.s32 v11, v6  }
0xd6: {  	v6 =	vadd.s32 v7, v6;
	v7 =	vld [tilespmem:s20+$0x6480]  }
0xd7: {  	v60 =	vld [tilespmem:s20+$0x6500];
	v6 =	vadd.s32 v56, v6  }
0xd8: {  	v61 =	vld [tilespmem:s20+$0x6580];
	v6 =	vadd.s32 v57, v6  }
0xd9: {  	v62 =	vld [tilespmem:s20+$0x6600];
	v6 =	vadd.s32 v58, v6  }
0xda: {  	v63 =	vld [tilespmem:s20+$0x6680];
	v6 =	vadd.s32 v59, v6  }
0xdb: {  	v6 =	vadd.s32 v7, v6  }
0xdc: {  	v6 =	vadd.s32 v60, v6  }
0xdd: {  	p1 =	sne.s32 s23, $0x1;
	v6 =	vadd.s32 v61, v6  }
.Ltmp9:
0xde: {  	v6 =	vadd.s32 v62, v6;
	(pc) =	sbr.rel @!p1 .LBB2_17-.Ltmp9, $4  }
0xdf: {  	v6 =	vadd.s32 v63, v6  }
0xe0: {  	s21 =	sadd.s32 $0x80, s21;
	s22 =	sadd.s32 $0x10, s18;
	v6 =	vcvt.s32.f32 v6  }
0xe1: {  	s23 =	sadd.s32 $0xFFFFFFFF, s23;
	s18 =	sand.u32 $0x70, s22;
	s31 =	sand.u32 $0xFFFFFC00, s21  }
0xe2: {  	p0 =	por $0x1, $0x1;
	s20 =	sor.u32 s18, s31;
	s18 =	smov.u32 s19;
	[tilespmem:s19+$0x0] =	vst v6  }
.LBB2_18:
0xe3: {  	p1 =	sne.s32 s23, $0x1;
	v6 =	vld [tilespmem:s20+$0x5380]  }
0xe4: {  	v7 =	vld [tilespmem:s20+$0x5300]  }
0xe5: {  	v8 =	vld [tilespmem:s20+$0x5400]  }
0xe6: {  	v9 =	vld [tilespmem:s20+$0x5480]  }
0xe7: {  	v10 =	vld [tilespmem:s20+$0x5500]  }
0xe8: {  	v11 =	vld [tilespmem:s20+$0x5580]  }
0xe9: {  	v6 =	vadd.s32 v7, v6;
	v7 =	vld [tilespmem:s20+$0x5600]  }
0xea: {  	v6 =	vadd.s32 v8, v6;
	v8 =	vld [tilespmem:s20+$0x5680]  }
0xeb: {  	v6 =	vadd.s32 v9, v6;
	v9 =	vld [tilespmem:s20+$0x6300]  }
0xec: {  	v6 =	vadd.s32 v10, v6;
	v10 =	vld [tilespmem:s20+$0x6380]  }
0xed: {  	v6 =	vadd.s32 v11, v6;
	v11 =	vld [tilespmem:s20+$0x6400]  }
0xee: {  	v6 =	vadd.s32 v7, v6;
	v7 =	vld [tilespmem:s20+$0x6480]  }
0xef: {  	v6 =	vadd.s32 v8, v6;
	v8 =	vld [tilespmem:s20+$0x6500]  }
0xf0: {  	v6 =	vadd.s32 v9, v6;
	v9 =	vld [tilespmem:s20+$0x6580]  }
0xf1: {  	v6 =	vadd.s32 v10, v6;
	v10 =	vld [tilespmem:s20+$0x6600]  }
0xf2: {  	v6 =	vadd.s32 v11, v6;
	v11 =	vld [tilespmem:s20+$0x6680]  }
0xf3: {  	v6 =	vadd.s32 v7, v6  }
0xf4: {  	v6 =	vadd.s32 v8, v6  }
0xf5: {  	v6 =	vadd.s32 v9, v6  }
.Ltmp10:
0xf6: {  	v6 =	vadd.s32 v10, v6;
	(pc) =	sbr.rel @p1 .LBB2_18-.Ltmp10, $4  }
0xf7: {  	v6 =	vadd.s32 v11, v6  }
0xf8: {  	s21 =	sadd.s32 $0x80, s21;
	s22 =	sadd.s32 $0x10, s22;
	v6 =	vcvt.s32.f32 v6  }
0xf9: {  	s18 =	sadd.s32 $0x10, s18;
	s24 =	sand.u32 $0xFFFFFC00, s21;
	s20 =	sand.u32 $0x70, s22  }
0xfa: {  	s23 =	sadd.s32 $0xFFFFFFFF, s23;
	s20 =	sor.u32 s20, s24;
	[tilespmem:s18+$0x0] =	vst v6  }
.LBB2_19:
0xfb: {  	v6 =	vld [tilespmem:s20+$0x5380]  }
0xfc: {  	v7 =	vld [tilespmem:s20+$0x5300]  }
0xfd: {  	v8 =	vld [tilespmem:s20+$0x5400]  }
0xfe: {  	v9 =	vld [tilespmem:s20+$0x5480]  }
0xff: {  	v10 =	vld [tilespmem:s20+$0x5500]  }
0x100: {  	v11 =	vld [tilespmem:s20+$0x5580]  }
0x101: {  	v6 =	vadd.s32 v7, v6;
	v7 =	vld [tilespmem:s20+$0x5600]  }
0x102: {  	v56 =	vld [tilespmem:s20+$0x5680];
	v6 =	vadd.s32 v8, v6  }
0x103: {  	v57 =	vld [tilespmem:s20+$0x6300];
	v6 =	vadd.s32 v9, v6  }
0x104: {  	v58 =	vld [tilespmem:s20+$0x6380];
	v6 =	vadd.s32 v10, v6  }
0x105: {  	v59 =	vld [tilespmem:s20+$0x6400];
	v6 =	vadd.s32 v11, v6  }
0x106: {  	v6 =	vadd.s32 v7, v6;
	v7 =	vld [tilespmem:s20+$0x6480]  }
0x107: {  	v60 =	vld [tilespmem:s20+$0x6500];
	v6 =	vadd.s32 v56, v6  }
0x108: {  	v61 =	vld [tilespmem:s20+$0x6580];
	v6 =	vadd.s32 v57, v6  }
0x109: {  	v62 =	vld [tilespmem:s20+$0x6600];
	v6 =	vadd.s32 v58, v6  }
0x10a: {  	v63 =	vld [tilespmem:s20+$0x6680];
	v6 =	vadd.s32 v59, v6  }
0x10b: {  	v6 =	vadd.s32 v7, v6  }
0x10c: {  	v6 =	vadd.s32 v60, v6  }
0x10d: {  	v6 =	vadd.s32 v61, v6  }
0x10e: {  	v6 =	vadd.s32 v62, v6  }
0x10f: {  	v6 =	vadd.s32 v63, v6  }
0x110: {  	s18 =	sadd.s32 @p0 $0x10, s18;
	v6 =	vcvt.s32.f32 v6  }
0x111: {  	s19 =	smov.u32 @p0 s18  }
0x112: {  	[tilespmem:s19+$0x0] =	vst v6  }
.LBB2_20:
0x113: {  	s18 =	simm.s32 $0x0  }
.LBB2_21:
0x114: {  	s19 =	sshra.s32 s18, $0x2  }
0x115: {  	v6 =	vld.idx.msk [tilespmem:v5+s19+$0xFFFFFFC0 ss:$0x1], $0xffff;
	_ =	sdelay $0x7  }
0x116: {  	v6 =	vld.idx.msk [tilespmem:v6+s14+$0x0], $0xffff;
	_ =	sdelay $0x4  }
0x117: {  	[tilespmem:s19+$0x7700] =	vst v6  }
0x118: {  	v6 =	vld.idx.msk [tilespmem:v5+s19+$0xFFFFFFD0 ss:$0x1], $0xffff;
	_ =	sdelay $0x7  }
0x119: {  	v6 =	vld.idx.msk [tilespmem:v6+s14+$0x0], $0xffff;
	_ =	sdelay $0x4  }
0x11a: {  	[tilespmem:s19+$0x7710] =	vst v6  }
0x11b: {  	v6 =	vld.idx.msk [tilespmem:v5+s19+$0xFFFFFFE0 ss:$0x1], $0xffff;
	_ =	sdelay $0x7  }
0x11c: {  	v6 =	vld.idx.msk [tilespmem:v6+s14+$0x0], $0xffff;
	_ =	sdelay $0x4  }
0x11d: {  	[tilespmem:s19+$0x7720] =	vst v6  }
0x11e: {  	v6 =	vld.idx.msk [tilespmem:v5+s19+$0xFFFFFFF0 ss:$0x1], $0xffff;
	_ =	sdelay $0x7  }
0x11f: {  	v6 =	vld.idx.msk [tilespmem:v6+s14+$0x0], $0xffff;
	_ =	sdelay $0x4  }
0x120: {  	[tilespmem:s19+$0x7730] =	vst v6  }
0x121: {  	v6 =	vld.idx.msk [tilespmem:v5+s19+$0x0 ss:$0x1], $0xffff;
	_ =	sdelay $0x7  }
0x122: {  	p0 =	sne.s32 s18, $0x9B00;
	v6 =	vld.idx.msk [tilespmem:v6+s14+$0x0], $0xffff  }
.Ltmp11:
0x123: {  	_ = 	snop;
	(pc) =	sbr.rel @p0 .LBB2_21-.Ltmp11, $2  }
0x124: {  	_ =	sdelay $0x2  }
0x125: {  	s18 =	sadd.s32 $0x140, s18;
	[tilespmem:s19+$0x7740] =	vst v6  }
0x126: {  	[hbm4b:s6+s2] =	stream.linear.scatter [tilespmem:s15], [sflag:$0x2], $0x2710, $0x38;
	[tilespmem:$0x9E80] =	vst v63  }
0x127: {  	s17 =	sadd.s32 $0x1, s17  }
0x128: {  	p0 =	sne.s32 s17, s7  }
.Ltmp12:
0x129: {  	_ = 	snop;
	(pc) =	sbr.rel @p0 .LBB2_1-.Ltmp12, $4  }
.Ltmp13:
0x12a: {  	_ = 	snop;
	(pc) =	sbr.rel @!p0 .LBB2_23-.Ltmp13, $4  }
0x12b: {  	_ =	swait.ge [sflag:s12], $0x2710  }
0x12c: {  	[sflag:s12] =	ssyncset.done $0x0  }
0x12d: {  	[sflag:s12] =	ssyncadd.s32 $0xFFFFD8F0  }
0x12e: {  	_ = 	snop  }
.LBB2_6:
.Ltmp14:
0x12f: {  	(pc) =	sbr.rel .LBB2_12-.Ltmp14, $2  }
0x130: {  	_ =	sdelay $0x2  }
0x131: {  	s25 =	smov.u32 s22;
	s24 =	smov.u32 s23  }
.LBB2_15:
.Ltmp15:
0x132: {  	(pc) =	sbr.rel .LBB2_19-.Ltmp15, $2  }
0x133: {  	_ =	sdelay $0x2  }
0x134: {  	s18 =	smov.u32 s19  }
.LBB2_8:
.Ltmp16:
0x135: {  	(pc) =	sbr.rel .LBB2_12-.Ltmp16, $2  }
0x136: {  	_ =	sdelay $0x2  }
0x137: {  	s25 =	smov.u32 s22;
	s24 =	smov.u32 s23  }
.LBB2_17:
.Ltmp17:
0x138: {  	(pc) =	sbr.rel .LBB2_19-.Ltmp17, $2  }
0x139: {  	_ =	sdelay $0x2  }
0x13a: {  	s18 =	smov.u32 s19  }
.LBB2_10:
.Ltmp18:
0x13b: {  	(pc) =	sbr.rel .LBB2_12-.Ltmp18, $2  }
0x13c: {  	_ =	sdelay $0x2  }
0x13d: {  	s25 =	smov.u32 s22  }
.LBB2_23:
0x13e: {  	_ =	sfence.sel $0x180000  }
0x13f: {  	[bflag:$0x0] =	sbarrier.arrive $0xFFFF  }
0x140: {  	p0 =	sne.s32 s3, $0x0;
	_ =	strace $0x90000047  }
0x141: {  	s0 =	sadd.s32 @!p0 $0x100000, s0;
	[bflag:$0x2] =	sbarrier.arrive $0xFFFF  }
0x142: {  	[sflag:s0] =	ssyncadd.tile.s32 @!p0 $0x1;
	_ =	shalt  }
.Lfunc_end2:
_tile_overlayer_lowered:
.L_overlay_start_2:
0x143: {  	(tag) =	ssettag $0x2  }
0x144: {  	s0 =	rddreg [dreg:$0x0];
	s2 =	stileid.u32  }
0x145: {  	s1 =	rddreg [dreg:$0x1];
	p0 =	sne.s32 s2, $0x0  }
0x146: {  	s3 =	rddreg [dreg:$0x2];
	[bflag:$0x3] =	sbarrier.arrive $0xFFFF;
	s2 =	simm.s32 @!p0 $0x1C02  }
0x147: {  	[timem:s3], [sflag:s2] =	dma.local @!p0 [hbm:s0], s1  }
0x148: {  	s0 =	simm.s32 @!p0 $0x2  }
0x149: {  	_ =	swait.ge @!p0 [sflag:s0], s1  }
0x14a: {  	s1 =	ssub.s32 @!p0 $0x0, s1;
	[sflag:s0] =	ssyncset.done @!p0 $0x0  }
0x14b: {  	[sflag:s0] =	ssyncadd.s32 @!p0 s1  }
0x14c: {  	[bflag:$0x3] =	sbarrier.arrive $0xFFFF  }
0x14d: {  	_ =	shalt  }

</sc_bundles>
